<compile_context>
chip_gen: v7x
topology: tpu7x:2x2x1
jax: 0.10.2.dev20260603
libtpu: 0.0.44.dev20260713+nightly
codegen_flags: <defaults>
</compile_context>

<pallas_src>
import jax
import jax.numpy as jnp
from jax import lax
from jax.experimental import pallas as pl
from jax.experimental.pallas import tpu as pltpu
from jax.experimental.pallas import tpu_sc as plsc

V = 100000
D = 64
L = 200
B = 1024
NCLS = 2
NW = 32
SPW = B // NW
G = 4
NG = SPW // G


def _sc_body(idx_hbm, tab_hbm, wt_hbm, b_hbm, out_hbm,
             idx_v, w_v, b_v, rows0, rows1, lg0_v, lg1_v, o_v, sem0, sem1,
             semw):
    cid = lax.axis_index("c")
    sid = lax.axis_index("s")
    wid = sid * 2 + cid

    wcp = pltpu.async_copy(wt_hbm, w_v, semw)
    bcp = pltpu.async_copy(b_hbm, b_v, semw)
    pltpu.sync_copy(idx_hbm.at[pl.ds(wid * SPW, SPW)], idx_v)

    bufs = (rows0, rows1)
    sems = (sem0, sem1)

    def start_group(g, p):
        for s in range(G):
            for c, (off, n) in enumerate(((0, 128), (128, L - 128))):
                pltpu.async_copy(
                    tab_hbm.at[idx_v.at[g * G + s, pl.ds(off, n)]],
                    bufs[p].at[pl.ds(s * L + off, n)], sems[p])

    def wait_group(p):
        for s in range(G):
            for c, (off, n) in enumerate(((0, 128), (128, L - 128))):
                pltpu.make_async_copy(
                    tab_hbm.at[idx_v.at[s, pl.ds(off, n)]],
                    bufs[p].at[pl.ds(s * L + off, n)], sems[p]).wait()

    def compute_group(g, p):
        rows = bufs[p]

        def jbody(j, accs):
            off = j * 2 * D
            w0 = []
            w1 = []
            for d in range(4):
                wv = w_v[pl.ds(off + d * 32, 32)]
                a, bb = plsc.unpack(wv, format=plsc.PackFormat.INTERLEAVED)
                w0.append(a)
                w1.append(bb)
            new = list(accs)
            for s in range(G):
                r = s * L + j
                for d in range(4):
                    f = rows[r, pl.ds(d * 16, 16)]
                    new[s * 2] = new[s * 2] + f * w0[d]
                    new[s * 2 + 1] = new[s * 2 + 1] + f * w1[d]
            return tuple(new)

        z16 = jnp.zeros((16,), jnp.float32)
        accs = lax.fori_loop(0, L, jbody, (z16,) * (2 * G))
        lane0 = lax.iota(jnp.int32, 16) == 0
        for s in range(G):
            sg = g * G + s
            idxv = jnp.full((16,), sg, dtype=jnp.int32)
            s0 = jnp.full((16,), jnp.sum(accs[s * 2]))
            s1 = jnp.full((16,), jnp.sum(accs[s * 2 + 1]))
            plsc.store_scatter(lg0_v, [idxv], s0, mask=lane0)
            plsc.store_scatter(lg1_v, [idxv], s1, mask=lane0)

    start_group(0, 0)
    wcp.wait()
    bcp.wait()

    @pl.loop(0, NG, step=2)
    def _(g):
        start_group(g + 1, 1)
        wait_group(0)
        compute_group(g, 0)

        @pl.when(g + 2 < NG)
        def _():
            start_group(g + 2, 0)

        wait_group(1)
        compute_group(g + 1, 1)

    for t in range(SPW // 16):
        v0 = lg0_v[pl.ds(t * 16, 16)] + b_v[pl.ds(0, 16)]
        v1 = lg1_v[pl.ds(t * 16, 16)] + b_v[pl.ds(16, 16)]
        m = jnp.maximum(v0, v1)
        e = jnp.exp(-jnp.abs(v0 - v1))
        z = e / (2.0 + e)
        z2 = z * z
        logu = 2.0 * z * (1.0 + z2 * (1.0 / 3.0 + z2 * (0.2 + z2 * (1.0 / 7.0))))
        lse = m + logu
        o_v[0, pl.ds(t * 16, 16)] = v0 - lse
        o_v[1, pl.ds(t * 16, 16)] = v1 - lse

    base = wid * SPW
    pltpu.sync_copy(o_v.at[0], out_hbm.at[pl.ds(base, SPW)])
    pltpu.sync_copy(o_v.at[1], out_hbm.at[pl.ds(B + base, SPW)])


_sc_call = pl.kernel(
    _sc_body,
    out_type=jax.ShapeDtypeStruct((NCLS * B,), jnp.float32),
    mesh=plsc.VectorSubcoreMesh(core_axis_name="c", subcore_axis_name="s",
                                num_cores=2, num_subcores=16),
    scratch_types=[
        pltpu.VMEM((SPW, L), jnp.int32),
        pltpu.VMEM((NCLS * L * D,), jnp.bfloat16),
        pltpu.VMEM((2 * 16,), jnp.float32),
        pltpu.VMEM((G * L, D), jnp.float32),
        pltpu.VMEM((G * L, D), jnp.float32),
        pltpu.VMEM((SPW,), jnp.float32),
        pltpu.VMEM((SPW,), jnp.float32),
        pltpu.VMEM((NCLS, SPW), jnp.float32),
        pltpu.SemaphoreType.DMA,
        pltpu.SemaphoreType.DMA,
        pltpu.SemaphoreType.DMA,
    ],
    compiler_params=pltpu.CompilerParams(needs_layout_passes=False,
                                         use_tc_tiling_on_sc=False,
                                         skip_device_barrier=True),
)


def kernel(input_data, emb_table, W, b):
    idx = input_data.astype(jnp.int32)
    wbf = W.reshape(NCLS * L * D).astype(jnp.bfloat16)
    b32 = jnp.repeat(b.astype(jnp.float32), 16)
    out = _sc_call(idx, emb_table.astype(jnp.float32), wbf, b32)
    return out.reshape(NCLS, B).T

# --- scband reference (transcript-rebuilt; emitter-appended) ---
"""Pipeline reference for scband-imdb-model-13494787244525 (READ-ONLY COPY).

The authoritative reference and input builder live on the scoring server;
editing this copy changes nothing except your own understanding.
"""

import jax, jax.numpy as jnp
import numpy as np

VOCAB = 100000
EMBED_DIM = 64
MAX_LEN = 200
BATCH = 1024
PAD = 0


def setup_inputs(seed: int = 0) -> dict:
    key = jax.random.key(seed)
    k1, k2, k3, k4 = jax.random.split(key, 4)
    input_data = jax.random.randint(k1, (BATCH, MAX_LEN), 0, VOCAB)
    emb_table = jax.random.normal(k2, (VOCAB, EMBED_DIM), dtype=jnp.float32) * 0.02
    # padding_idx row is initialized to zero, matching nn.Embedding(padding_idx=PAD)
    emb_table = emb_table.at[PAD].set(0.0)
    input_dim = MAX_LEN * EMBED_DIM
    bound = 1.0 / np.sqrt(input_dim)
    W = jax.random.uniform(k3, (input_dim, 2), dtype=jnp.float32, minval=-bound, maxval=bound)
    b = jax.random.uniform(k4, (2,), dtype=jnp.float32, minval=-bound, maxval=bound)
    return {"input_data": input_data, "emb_table": emb_table, "W": W, "b": b}


def reference(input_data, emb_table, W, b):
    # embedding lookup (gather)
    input_embedding = jnp.take(emb_table, input_data, axis=0)  # [B, L, D]
    # flatten per-sample
    flat = input_embedding.reshape(input_embedding.shape[0], -1)  # [B, L*D]
    out = flat @ W + b  # [B, 2]
    return jax.nn.log_softmax(out, axis=-1)

if __name__ == "__main__":
    import jax
    _d = setup_inputs()
    print(jax.jit(kernel)(*tuple(_d.values())))

</pallas_src>

<mosaic_0001>
#map = affine_map<(d0, d1) -> (0, 0)>
#map1 = affine_map<(d0, d1) -> (0)>
module attributes {stable_mosaic.version = 14 : i64} {
  func.func @_sc_body(%arg0: i32, %arg1: i32, %arg2: memref<1024x200xi32, #tpu.memory_space<hbm>>, %arg3: memref<100000x64xf32, #tpu.memory_space<hbm>>, %arg4: memref<25600xbf16, #tpu.memory_space<hbm>>, %arg5: memref<32xf32, #tpu.memory_space<hbm>>, %arg6: memref<2048xf32, #tpu.memory_space<hbm>>, %arg7: memref<32x200xi32, #tpu.memory_space<vmem>>, %arg8: memref<25600xbf16, #tpu.memory_space<vmem>>, %arg9: memref<32xf32, #tpu.memory_space<vmem>>, %arg10: memref<800x64xf32, #tpu.memory_space<vmem>>, %arg11: memref<800x64xf32, #tpu.memory_space<vmem>>, %arg12: memref<32xf32, #tpu.memory_space<vmem>>, %arg13: memref<32xf32, #tpu.memory_space<vmem>>, %arg14: memref<2x32xf32, #tpu.memory_space<vmem>>, %arg15: memref<!tpu.dma_semaphore, #tpu.memory_space<semaphore_mem>>, %arg16: memref<!tpu.dma_semaphore, #tpu.memory_space<semaphore_mem>>, %arg17: memref<!tpu.dma_semaphore, #tpu.memory_space<semaphore_mem>>) attributes {dimension_semantics = [#tpu.dimension_semantics<core_parallel>, #tpu.dimension_semantics<subcore_parallel>], iteration_bounds = array<i64: 2, 16>, scalar_prefetch = 0 : i64, scratch_operands = 11 : i64, tpu.core_type = #tpu.core_type<sc_vector_subcore>, window_params = [{transform_indices = #map}, {transform_indices = #map}, {transform_indices = #map1}, {transform_indices = #map1}, {transform_indices = #map1}]} {
    %mul3A = arith.constant 2 : i32
    %mul3A_0 = arith.muli %arg1, %mul3A : i32
    %add3A = arith.addi %mul3A_0, %arg0 : i32
    tpu.enqueue_dma source(%arg4 : memref<25600xbf16, #tpu.memory_space<hbm>>) target(%arg8 : memref<25600xbf16, #tpu.memory_space<vmem>>) target_semaphore(%arg17 : memref<!tpu.dma_semaphore, #tpu.memory_space<semaphore_mem>>)
    tpu.enqueue_dma source(%arg5 : memref<32xf32, #tpu.memory_space<hbm>>) target(%arg9 : memref<32xf32, #tpu.memory_space<vmem>>) target_semaphore(%arg17 : memref<!tpu.dma_semaphore, #tpu.memory_space<semaphore_mem>>)
    %mul3A_1 = arith.constant 32 : i32
    %mul3A_2 = arith.muli %add3A, %mul3A_1 : i32
    "tpu.region"() ({
      %run_scoped3A_185 = tpu.sem_alloc : memref<!tpu.dma_semaphore, #tpu.memory_space<semaphore_mem>>
      %dma_start3A_186 = arith.constant 0 : i32
      %dma_start3A_187 = tpu.memref_slice %arg2[%mul3A_2, %dma_start3A_186] : memref<1024x200xi32, #tpu.memory_space<hbm>> -> memref<32x200xi32, #tpu.memory_space<hbm>>
      %dma_start3A_188 = arith.constant 0 : i32
      %dma_start3A_189 = tpu.memref_slice %arg2[%mul3A_2, %dma_start3A_188] : memref<1024x200xi32, #tpu.memory_space<hbm>> -> memref<32x200xi32, #tpu.memory_space<hbm>>
      tpu.enqueue_dma source(%dma_start3A_189 : memref<32x200xi32, #tpu.memory_space<hbm>>) target(%arg7 : memref<32x200xi32, #tpu.memory_space<vmem>>) target_semaphore(%run_scoped3A_185 : memref<!tpu.dma_semaphore, #tpu.memory_space<semaphore_mem>>)
      %dma_wait3A = arith.constant 0 : i32
      %dma_wait3A_190 = tpu.memref_slice %arg2[%mul3A_2, %dma_wait3A] : memref<1024x200xi32, #tpu.memory_space<hbm>> -> memref<32x200xi32, #tpu.memory_space<hbm>>
      %dma_wait3A_191 = arith.constant 0 : i32
      %dma_wait3A_192 = tpu.memref_slice %arg2[%mul3A_2, %dma_wait3A_191] : memref<1024x200xi32, #tpu.memory_space<hbm>> -> memref<32x200xi32, #tpu.memory_space<hbm>>
      tpu.wait_dma2 semaphore(%run_scoped3A_185 : memref<!tpu.dma_semaphore, #tpu.memory_space<semaphore_mem>>) src(%dma_wait3A_192 : memref<32x200xi32, #tpu.memory_space<hbm>>) dst(%arg7 : memref<32x200xi32, #tpu.memory_space<vmem>>)
      tpu.yield
    }) : () -> ()
    %dma_start3A = arith.constant 0 : i32
    %dma_start3A_3 = arith.constant 0 : i32
    %dma_start3A_4 = arith.constant 0 : i32
    %dma_start3A_5 = tpu.memref_slice %arg10[%dma_start3A_3, %dma_start3A_4] : memref<800x64xf32, #tpu.memory_space<vmem>> -> memref<128x64xf32, #tpu.memory_space<vmem>>
    %dma_start3A_6 = arith.constant 0 : i32
    %dma_start3A_7 = tpu.memref_slice %arg7[%dma_start3A, %dma_start3A_6] : memref<32x200xi32, #tpu.memory_space<vmem>> -> memref<1x128xi32, #tpu.memory_space<vmem>>
    %dma_start3A_8 = tpu.memref_squeeze %dma_start3A_7 : memref<1x128xi32, #tpu.memory_space<vmem>> -> memref<128xi32, #tpu.memory_space<vmem>>
    %dma_start3A_9 = arith.constant 0 : i32
    %dma_start3A_10 = arith.constant 0 : i32
    %dma_start3A_11 = tpu.memref_slice %arg3[%dma_start3A_9, %dma_start3A_10] : memref<100000x64xf32, #tpu.memory_space<hbm>> -> memref<100000x64xf32, #tpu.memory_space<hbm>>
    tpu.enqueue_indirect_dma source(%dma_start3A_11 : memref<100000x64xf32, #tpu.memory_space<hbm>>) target(%dma_start3A_5 : memref<128x64xf32, #tpu.memory_space<vmem>>) offsets(%dma_start3A_8 : memref<128xi32, #tpu.memory_space<vmem>>) semaphore(%arg15 : memref<!tpu.dma_semaphore, #tpu.memory_space<semaphore_mem>>)
    %dma_start3A_12 = arith.constant 0 : i32
    %dma_start3A_13 = arith.constant 128 : i32
    %dma_start3A_14 = arith.constant 0 : i32
    %dma_start3A_15 = tpu.memref_slice %arg10[%dma_start3A_13, %dma_start3A_14] : memref<800x64xf32, #tpu.memory_space<vmem>> -> memref<72x64xf32, #tpu.memory_space<vmem>>
    %dma_start3A_16 = arith.constant 128 : i32
    %dma_start3A_17 = tpu.memref_slice %arg7[%dma_start3A_12, %dma_start3A_16] : memref<32x200xi32, #tpu.memory_space<vmem>> -> memref<1x72xi32, #tpu.memory_space<vmem>>
    %dma_start3A_18 = tpu.memref_squeeze %dma_start3A_17 : memref<1x72xi32, #tpu.memory_space<vmem>> -> memref<72xi32, #tpu.memory_space<vmem>>
    %dma_start3A_19 = arith.constant 0 : i32
    %dma_start3A_20 = arith.constant 0 : i32
    %dma_start3A_21 = tpu.memref_slice %arg3[%dma_start3A_19, %dma_start3A_20] : memref<100000x64xf32, #tpu.memory_space<hbm>> -> memref<100000x64xf32, #tpu.memory_space<hbm>>
    tpu.enqueue_indirect_dma source(%dma_start3A_21 : memref<100000x64xf32, #tpu.memory_space<hbm>>) target(%dma_start3A_15 : memref<72x64xf32, #tpu.memory_space<vmem>>) offsets(%dma_start3A_18 : memref<72xi32, #tpu.memory_space<vmem>>) semaphore(%arg15 : memref<!tpu.dma_semaphore, #tpu.memory_space<semaphore_mem>>)
    %dma_start3A_22 = arith.constant 1 : i32
    %dma_start3A_23 = arith.constant 200 : i32
    %dma_start3A_24 = arith.constant 0 : i32
    %dma_start3A_25 = tpu.memref_slice %arg10[%dma_start3A_23, %dma_start3A_24] : memref<800x64xf32, #tpu.memory_space<vmem>> -> memref<128x64xf32, #tpu.memory_space<vmem>>
    %dma_start3A_26 = arith.constant 0 : i32
    %dma_start3A_27 = tpu.memref_slice %arg7[%dma_start3A_22, %dma_start3A_26] : memref<32x200xi32, #tpu.memory_space<vmem>> -> memref<1x128xi32, #tpu.memory_space<vmem>>
    %dma_start3A_28 = tpu.memref_squeeze %dma_start3A_27 : memref<1x128xi32, #tpu.memory_space<vmem>> -> memref<128xi32, #tpu.memory_space<vmem>>
    %dma_start3A_29 = arith.constant 0 : i32
    %dma_start3A_30 = arith.constant 0 : i32
    %dma_start3A_31 = tpu.memref_slice %arg3[%dma_start3A_29, %dma_start3A_30] : memref<100000x64xf32, #tpu.memory_space<hbm>> -> memref<100000x64xf32, #tpu.memory_space<hbm>>
    tpu.enqueue_indirect_dma source(%dma_start3A_31 : memref<100000x64xf32, #tpu.memory_space<hbm>>) target(%dma_start3A_25 : memref<128x64xf32, #tpu.memory_space<vmem>>) offsets(%dma_start3A_28 : memref<128xi32, #tpu.memory_space<vmem>>) semaphore(%arg15 : memref<!tpu.dma_semaphore, #tpu.memory_space<semaphore_mem>>)
    %dma_start3A_32 = arith.constant 1 : i32
    %dma_start3A_33 = arith.constant 328 : i32
    %dma_start3A_34 = arith.constant 0 : i32
    %dma_start3A_35 = tpu.memref_slice %arg10[%dma_start3A_33, %dma_start3A_34] : memref<800x64xf32, #tpu.memory_space<vmem>> -> memref<72x64xf32, #tpu.memory_space<vmem>>
    %dma_start3A_36 = arith.constant 128 : i32
    %dma_start3A_37 = tpu.memref_slice %arg7[%dma_start3A_32, %dma_start3A_36] : memref<32x200xi32, #tpu.memory_space<vmem>> -> memref<1x72xi32, #tpu.memory_space<vmem>>
    %dma_start3A_38 = tpu.memref_squeeze %dma_start3A_37 : memref<1x72xi32, #tpu.memory_space<vmem>> -> memref<72xi32, #tpu.memory_space<vmem>>
    %dma_start3A_39 = arith.constant 0 : i32
    %dma_start3A_40 = arith.constant 0 : i32
    %dma_start3A_41 = tpu.memref_slice %arg3[%dma_start3A_39, %dma_start3A_40] : memref<100000x64xf32, #tpu.memory_space<hbm>> -> memref<100000x64xf32, #tpu.memory_space<hbm>>
    tpu.enqueue_indirect_dma source(%dma_start3A_41 : memref<100000x64xf32, #tpu.memory_space<hbm>>) target(%dma_start3A_35 : memref<72x64xf32, #tpu.memory_space<vmem>>) offsets(%dma_start3A_38 : memref<72xi32, #tpu.memory_space<vmem>>) semaphore(%arg15 : memref<!tpu.dma_semaphore, #tpu.memory_space<semaphore_mem>>)
    %dma_start3A_42 = arith.constant 2 : i32
    %dma_start3A_43 = arith.constant 400 : i32
    %dma_start3A_44 = arith.constant 0 : i32
    %dma_start3A_45 = tpu.memref_slice %arg10[%dma_start3A_43, %dma_start3A_44] : memref<800x64xf32, #tpu.memory_space<vmem>> -> memref<128x64xf32, #tpu.memory_space<vmem>>
    %dma_start3A_46 = arith.constant 0 : i32
    %dma_start3A_47 = tpu.memref_slice %arg7[%dma_start3A_42, %dma_start3A_46] : memref<32x200xi32, #tpu.memory_space<vmem>> -> memref<1x128xi32, #tpu.memory_space<vmem>>
    %dma_start3A_48 = tpu.memref_squeeze %dma_start3A_47 : memref<1x128xi32, #tpu.memory_space<vmem>> -> memref<128xi32, #tpu.memory_space<vmem>>
    %dma_start3A_49 = arith.constant 0 : i32
    %dma_start3A_50 = arith.constant 0 : i32
    %dma_start3A_51 = tpu.memref_slice %arg3[%dma_start3A_49, %dma_start3A_50] : memref<100000x64xf32, #tpu.memory_space<hbm>> -> memref<100000x64xf32, #tpu.memory_space<hbm>>
    tpu.enqueue_indirect_dma source(%dma_start3A_51 : memref<100000x64xf32, #tpu.memory_space<hbm>>) target(%dma_start3A_45 : memref<128x64xf32, #tpu.memory_space<vmem>>) offsets(%dma_start3A_48 : memref<128xi32, #tpu.memory_space<vmem>>) semaphore(%arg15 : memref<!tpu.dma_semaphore, #tpu.memory_space<semaphore_mem>>)
    %dma_start3A_52 = arith.constant 2 : i32
    %dma_start3A_53 = arith.constant 528 : i32
    %dma_start3A_54 = arith.constant 0 : i32
    %dma_start3A_55 = tpu.memref_slice %arg10[%dma_start3A_53, %dma_start3A_54] : memref<800x64xf32, #tpu.memory_space<vmem>> -> memref<72x64xf32, #tpu.memory_space<vmem>>
    %dma_start3A_56 = arith.constant 128 : i32
    %dma_start3A_57 = tpu.memref_slice %arg7[%dma_start3A_52, %dma_start3A_56] : memref<32x200xi32, #tpu.memory_space<vmem>> -> memref<1x72xi32, #tpu.memory_space<vmem>>
    %dma_start3A_58 = tpu.memref_squeeze %dma_start3A_57 : memref<1x72xi32, #tpu.memory_space<vmem>> -> memref<72xi32, #tpu.memory_space<vmem>>
    %dma_start3A_59 = arith.constant 0 : i32
    %dma_start3A_60 = arith.constant 0 : i32
    %dma_start3A_61 = tpu.memref_slice %arg3[%dma_start3A_59, %dma_start3A_60] : memref<100000x64xf32, #tpu.memory_space<hbm>> -> memref<100000x64xf32, #tpu.memory_space<hbm>>
    tpu.enqueue_indirect_dma source(%dma_start3A_61 : memref<100000x64xf32, #tpu.memory_space<hbm>>) target(%dma_start3A_55 : memref<72x64xf32, #tpu.memory_space<vmem>>) offsets(%dma_start3A_58 : memref<72xi32, #tpu.memory_space<vmem>>) semaphore(%arg15 : memref<!tpu.dma_semaphore, #tpu.memory_space<semaphore_mem>>)
    %dma_start3A_62 = arith.constant 3 : i32
    %dma_start3A_63 = arith.constant 600 : i32
    %dma_start3A_64 = arith.constant 0 : i32
    %dma_start3A_65 = tpu.memref_slice %arg10[%dma_start3A_63, %dma_start3A_64] : memref<800x64xf32, #tpu.memory_space<vmem>> -> memref<128x64xf32, #tpu.memory_space<vmem>>
    %dma_start3A_66 = arith.constant 0 : i32
    %dma_start3A_67 = tpu.memref_slice %arg7[%dma_start3A_62, %dma_start3A_66] : memref<32x200xi32, #tpu.memory_space<vmem>> -> memref<1x128xi32, #tpu.memory_space<vmem>>
    %dma_start3A_68 = tpu.memref_squeeze %dma_start3A_67 : memref<1x128xi32, #tpu.memory_space<vmem>> -> memref<128xi32, #tpu.memory_space<vmem>>
    %dma_start3A_69 = arith.constant 0 : i32
    %dma_start3A_70 = arith.constant 0 : i32
    %dma_start3A_71 = tpu.memref_slice %arg3[%dma_start3A_69, %dma_start3A_70] : memref<100000x64xf32, #tpu.memory_space<hbm>> -> memref<100000x64xf32, #tpu.memory_space<hbm>>
    tpu.enqueue_indirect_dma source(%dma_start3A_71 : memref<100000x64xf32, #tpu.memory_space<hbm>>) target(%dma_start3A_65 : memref<128x64xf32, #tpu.memory_space<vmem>>) offsets(%dma_start3A_68 : memref<128xi32, #tpu.memory_space<vmem>>) semaphore(%arg15 : memref<!tpu.dma_semaphore, #tpu.memory_space<semaphore_mem>>)
    %dma_start3A_72 = arith.constant 3 : i32
    %dma_start3A_73 = arith.constant 728 : i32
    %dma_start3A_74 = arith.constant 0 : i32
    %dma_start3A_75 = tpu.memref_slice %arg10[%dma_start3A_73, %dma_start3A_74] : memref<800x64xf32, #tpu.memory_space<vmem>> -> memref<72x64xf32, #tpu.memory_space<vmem>>
    %dma_start3A_76 = arith.constant 128 : i32
    %dma_start3A_77 = tpu.memref_slice %arg7[%dma_start3A_72, %dma_start3A_76] : memref<32x200xi32, #tpu.memory_space<vmem>> -> memref<1x72xi32, #tpu.memory_space<vmem>>
    %dma_start3A_78 = tpu.memref_squeeze %dma_start3A_77 : memref<1x72xi32, #tpu.memory_space<vmem>> -> memref<72xi32, #tpu.memory_space<vmem>>
    %dma_start3A_79 = arith.constant 0 : i32
    %dma_start3A_80 = arith.constant 0 : i32
    %dma_start3A_81 = tpu.memref_slice %arg3[%dma_start3A_79, %dma_start3A_80] : memref<100000x64xf32, #tpu.memory_space<hbm>> -> memref<100000x64xf32, #tpu.memory_space<hbm>>
    tpu.enqueue_indirect_dma source(%dma_start3A_81 : memref<100000x64xf32, #tpu.memory_space<hbm>>) target(%dma_start3A_75 : memref<72x64xf32, #tpu.memory_space<vmem>>) offsets(%dma_start3A_78 : memref<72xi32, #tpu.memory_space<vmem>>) semaphore(%arg15 : memref<!tpu.dma_semaphore, #tpu.memory_space<semaphore_mem>>)
    tpu.wait_dma2 semaphore(%arg17 : memref<!tpu.dma_semaphore, #tpu.memory_space<semaphore_mem>>) src(%arg4 : memref<25600xbf16, #tpu.memory_space<hbm>>) dst(%arg8 : memref<25600xbf16, #tpu.memory_space<vmem>>)
    tpu.wait_dma2 semaphore(%arg17 : memref<!tpu.dma_semaphore, #tpu.memory_space<semaphore_mem>>) src(%arg5 : memref<32xf32, #tpu.memory_space<hbm>>) dst(%arg9 : memref<32xf32, #tpu.memory_space<vmem>>)
    %scan3A = arith.constant 0 : i32
    %scan3A_82 = arith.constant 4 : i32
    %scan3A_83 = arith.addi %scan3A, %scan3A_82 : i32
    %scan3A_84 = arith.constant 1 : i32
    scf.for %scan3A_185 = %scan3A to %scan3A_83 step %scan3A_84  : i32 {
      %mul3A_186 = arith.constant 2 : i32
      %mul3A_187 = arith.muli %scan3A_185, %mul3A_186 : i32
      %add3A_188 = arith.constant 0 : i32
      %add3A_189 = arith.addi %add3A_188, %mul3A_187 : i32
      %add3A_190 = arith.constant 1 : i32
      %add3A_191 = arith.addi %add3A_189, %add3A_190 : i32
      %mul3A_192 = arith.constant 4 : i32
      %mul3A_193 = arith.muli %add3A_191, %mul3A_192 : i32
      %add3A_194 = arith.constant 0 : i32
      %add3A_195 = arith.addi %mul3A_193, %add3A_194 : i32
      %dma_start3A_196 = arith.constant 0 : i32
      %dma_start3A_197 = arith.constant 0 : i32
      %dma_start3A_198 = tpu.memref_slice %arg11[%dma_start3A_196, %dma_start3A_197] : memref<800x64xf32, #tpu.memory_space<vmem>> -> memref<128x64xf32, #tpu.memory_space<vmem>>
      %dma_start3A_199 = arith.constant 0 : i32
      %dma_start3A_200 = tpu.memref_slice %arg7[%add3A_195, %dma_start3A_199] : memref<32x200xi32, #tpu.memory_space<vmem>> -> memref<1x128xi32, #tpu.memory_space<vmem>>
      %dma_start3A_201 = tpu.memref_squeeze %dma_start3A_200 : memref<1x128xi32, #tpu.memory_space<vmem>> -> memref<128xi32, #tpu.memory_space<vmem>>
      %dma_start3A_202 = arith.constant 0 : i32
      %dma_start3A_203 = arith.constant 0 : i32
      %dma_start3A_204 = tpu.memref_slice %arg3[%dma_start3A_202, %dma_start3A_203] : memref<100000x64xf32, #tpu.memory_space<hbm>> -> memref<100000x64xf32, #tpu.memory_space<hbm>>
      tpu.enqueue_indirect_dma source(%dma_start3A_204 : memref<100000x64xf32, #tpu.memory_space<hbm>>) target(%dma_start3A_198 : memref<128x64xf32, #tpu.memory_space<vmem>>) offsets(%dma_start3A_201 : memref<128xi32, #tpu.memory_space<vmem>>) semaphore(%arg16 : memref<!tpu.dma_semaphore, #tpu.memory_space<semaphore_mem>>)
      %mul3A_205 = arith.constant 4 : i32
      %mul3A_206 = arith.muli %add3A_191, %mul3A_205 : i32
      %add3A_207 = arith.constant 0 : i32
      %add3A_208 = arith.addi %mul3A_206, %add3A_207 : i32
      %dma_start3A_209 = arith.constant 128 : i32
      %dma_start3A_210 = arith.constant 0 : i32
      %dma_start3A_211 = tpu.memref_slice %arg11[%dma_start3A_209, %dma_start3A_210] : memref<800x64xf32, #tpu.memory_space<vmem>> -> memref<72x64xf32, #tpu.memory_space<vmem>>
      %dma_start3A_212 = arith.constant 128 : i32
      %dma_start3A_213 = tpu.memref_slice %arg7[%add3A_208, %dma_start3A_212] : memref<32x200xi32, #tpu.memory_space<vmem>> -> memref<1x72xi32, #tpu.memory_space<vmem>>
      %dma_start3A_214 = tpu.memref_squeeze %dma_start3A_213 : memref<1x72xi32, #tpu.memory_space<vmem>> -> memref<72xi32, #tpu.memory_space<vmem>>
      %dma_start3A_215 = arith.constant 0 : i32
      %dma_start3A_216 = arith.constant 0 : i32
      %dma_start3A_217 = tpu.memref_slice %arg3[%dma_start3A_215, %dma_start3A_216] : memref<100000x64xf32, #tpu.memory_space<hbm>> -> memref<100000x64xf32, #tpu.memory_space<hbm>>
      tpu.enqueue_indirect_dma source(%dma_start3A_217 : memref<100000x64xf32, #tpu.memory_space<hbm>>) target(%dma_start3A_211 : memref<72x64xf32, #tpu.memory_space<vmem>>) offsets(%dma_start3A_214 : memref<72xi32, #tpu.memory_space<vmem>>) semaphore(%arg16 : memref<!tpu.dma_semaphore, #tpu.memory_space<semaphore_mem>>)
      %mul3A_218 = arith.constant 4 : i32
      %mul3A_219 = arith.muli %add3A_191, %mul3A_218 : i32
      %add3A_220 = arith.constant 1 : i32
      %add3A_221 = arith.addi %mul3A_219, %add3A_220 : i32
      %dma_start3A_222 = arith.constant 200 : i32
      %dma_start3A_223 = arith.constant 0 : i32
      %dma_start3A_224 = tpu.memref_slice %arg11[%dma_start3A_222, %dma_start3A_223] : memref<800x64xf32, #tpu.memory_space<vmem>> -> memref<128x64xf32, #tpu.memory_space<vmem>>
      %dma_start3A_225 = arith.constant 0 : i32
      %dma_start3A_226 = tpu.memref_slice %arg7[%add3A_221, %dma_start3A_225] : memref<32x200xi32, #tpu.memory_space<vmem>> -> memref<1x128xi32, #tpu.memory_space<vmem>>
      %dma_start3A_227 = tpu.memref_squeeze %dma_start3A_226 : memref<1x128xi32, #tpu.memory_space<vmem>> -> memref<128xi32, #tpu.memory_space<vmem>>
      %dma_start3A_228 = arith.constant 0 : i32
      %dma_start3A_229 = arith.constant 0 : i32
      %dma_start3A_230 = tpu.memref_slice %arg3[%dma_start3A_228, %dma_start3A_229] : memref<100000x64xf32, #tpu.memory_space<hbm>> -> memref<100000x64xf32, #tpu.memory_space<hbm>>
      tpu.enqueue_indirect_dma source(%dma_start3A_230 : memref<100000x64xf32, #tpu.memory_space<hbm>>) target(%dma_start3A_224 : memref<128x64xf32, #tpu.memory_space<vmem>>) offsets(%dma_start3A_227 : memref<128xi32, #tpu.memory_space<vmem>>) semaphore(%arg16 : memref<!tpu.dma_semaphore, #tpu.memory_space<semaphore_mem>>)
      %mul3A_231 = arith.constant 4 : i32
      %mul3A_232 = arith.muli %add3A_191, %mul3A_231 : i32
      %add3A_233 = arith.constant 1 : i32
      %add3A_234 = arith.addi %mul3A_232, %add3A_233 : i32
      %dma_start3A_235 = arith.constant 328 : i32
      %dma_start3A_236 = arith.constant 0 : i32
      %dma_start3A_237 = tpu.memref_slice %arg11[%dma_start3A_235, %dma_start3A_236] : memref<800x64xf32, #tpu.memory_space<vmem>> -> memref<72x64xf32, #tpu.memory_space<vmem>>
      %dma_start3A_238 = arith.constant 128 : i32
      %dma_start3A_239 = tpu.memref_slice %arg7[%add3A_234, %dma_start3A_238] : memref<32x200xi32, #tpu.memory_space<vmem>> -> memref<1x72xi32, #tpu.memory_space<vmem>>
      %dma_start3A_240 = tpu.memref_squeeze %dma_start3A_239 : memref<1x72xi32, #tpu.memory_space<vmem>> -> memref<72xi32, #tpu.memory_space<vmem>>
      %dma_start3A_241 = arith.constant 0 : i32
      %dma_start3A_242 = arith.constant 0 : i32
      %dma_start3A_243 = tpu.memref_slice %arg3[%dma_start3A_241, %dma_start3A_242] : memref<100000x64xf32, #tpu.memory_space<hbm>> -> memref<100000x64xf32, #tpu.memory_space<hbm>>
      tpu.enqueue_indirect_dma source(%dma_start3A_243 : memref<100000x64xf32, #tpu.memory_space<hbm>>) target(%dma_start3A_237 : memref<72x64xf32, #tpu.memory_space<vmem>>) offsets(%dma_start3A_240 : memref<72xi32, #tpu.memory_space<vmem>>) semaphore(%arg16 : memref<!tpu.dma_semaphore, #tpu.memory_space<semaphore_mem>>)
      %mul3A_244 = arith.constant 4 : i32
      %mul3A_245 = arith.muli %add3A_191, %mul3A_244 : i32
      %add3A_246 = arith.constant 2 : i32
      %add3A_247 = arith.addi %mul3A_245, %add3A_246 : i32
      %dma_start3A_248 = arith.constant 400 : i32
      %dma_start3A_249 = arith.constant 0 : i32
      %dma_start3A_250 = tpu.memref_slice %arg11[%dma_start3A_248, %dma_start3A_249] : memref<800x64xf32, #tpu.memory_space<vmem>> -> memref<128x64xf32, #tpu.memory_space<vmem>>
      %dma_start3A_251 = arith.constant 0 : i32
      %dma_start3A_252 = tpu.memref_slice %arg7[%add3A_247, %dma_start3A_251] : memref<32x200xi32, #tpu.memory_space<vmem>> -> memref<1x128xi32, #tpu.memory_space<vmem>>
      %dma_start3A_253 = tpu.memref_squeeze %dma_start3A_252 : memref<1x128xi32, #tpu.memory_space<vmem>> -> memref<128xi32, #tpu.memory_space<vmem>>
      %dma_start3A_254 = arith.constant 0 : i32
      %dma_start3A_255 = arith.constant 0 : i32
      %dma_start3A_256 = tpu.memref_slice %arg3[%dma_start3A_254, %dma_start3A_255] : memref<100000x64xf32, #tpu.memory_space<hbm>> -> memref<100000x64xf32, #tpu.memory_space<hbm>>
      tpu.enqueue_indirect_dma source(%dma_start3A_256 : memref<100000x64xf32, #tpu.memory_space<hbm>>) target(%dma_start3A_250 : memref<128x64xf32, #tpu.memory_space<vmem>>) offsets(%dma_start3A_253 : memref<128xi32, #tpu.memory_space<vmem>>) semaphore(%arg16 : memref<!tpu.dma_semaphore, #tpu.memory_space<semaphore_mem>>)
      %mul3A_257 = arith.constant 4 : i32
      %mul3A_258 = arith.muli %add3A_191, %mul3A_257 : i32
      %add3A_259 = arith.constant 2 : i32
      %add3A_260 = arith.addi %mul3A_258, %add3A_259 : i32
      %dma_start3A_261 = arith.constant 528 : i32
      %dma_start3A_262 = arith.constant 0 : i32
      %dma_start3A_263 = tpu.memref_slice %arg11[%dma_start3A_261, %dma_start3A_262] : memref<800x64xf32, #tpu.memory_space<vmem>> -> memref<72x64xf32, #tpu.memory_space<vmem>>
      %dma_start3A_264 = arith.constant 128 : i32
      %dma_start3A_265 = tpu.memref_slice %arg7[%add3A_260, %dma_start3A_264] : memref<32x200xi32, #tpu.memory_space<vmem>> -> memref<1x72xi32, #tpu.memory_space<vmem>>
      %dma_start3A_266 = tpu.memref_squeeze %dma_start3A_265 : memref<1x72xi32, #tpu.memory_space<vmem>> -> memref<72xi32, #tpu.memory_space<vmem>>
      %dma_start3A_267 = arith.constant 0 : i32
      %dma_start3A_268 = arith.constant 0 : i32
      %dma_start3A_269 = tpu.memref_slice %arg3[%dma_start3A_267, %dma_start3A_268] : memref<100000x64xf32, #tpu.memory_space<hbm>> -> memref<100000x64xf32, #tpu.memory_space<hbm>>
      tpu.enqueue_indirect_dma source(%dma_start3A_269 : memref<100000x64xf32, #tpu.memory_space<hbm>>) target(%dma_start3A_263 : memref<72x64xf32, #tpu.memory_space<vmem>>) offsets(%dma_start3A_266 : memref<72xi32, #tpu.memory_space<vmem>>) semaphore(%arg16 : memref<!tpu.dma_semaphore, #tpu.memory_space<semaphore_mem>>)
      %mul3A_270 = arith.constant 4 : i32
      %mul3A_271 = arith.muli %add3A_191, %mul3A_270 : i32
      %add3A_272 = arith.constant 3 : i32
      %add3A_273 = arith.addi %mul3A_271, %add3A_272 : i32
      %dma_start3A_274 = arith.constant 600 : i32
      %dma_start3A_275 = arith.constant 0 : i32
      %dma_start3A_276 = tpu.memref_slice %arg11[%dma_start3A_274, %dma_start3A_275] : memref<800x64xf32, #tpu.memory_space<vmem>> -> memref<128x64xf32, #tpu.memory_space<vmem>>
      %dma_start3A_277 = arith.constant 0 : i32
      %dma_start3A_278 = tpu.memref_slice %arg7[%add3A_273, %dma_start3A_277] : memref<32x200xi32, #tpu.memory_space<vmem>> -> memref<1x128xi32, #tpu.memory_space<vmem>>
      %dma_start3A_279 = tpu.memref_squeeze %dma_start3A_278 : memref<1x128xi32, #tpu.memory_space<vmem>> -> memref<128xi32, #tpu.memory_space<vmem>>
      %dma_start3A_280 = arith.constant 0 : i32
      %dma_start3A_281 = arith.constant 0 : i32
      %dma_start3A_282 = tpu.memref_slice %arg3[%dma_start3A_280, %dma_start3A_281] : memref<100000x64xf32, #tpu.memory_space<hbm>> -> memref<100000x64xf32, #tpu.memory_space<hbm>>
      tpu.enqueue_indirect_dma source(%dma_start3A_282 : memref<100000x64xf32, #tpu.memory_space<hbm>>) target(%dma_start3A_276 : memref<128x64xf32, #tpu.memory_space<vmem>>) offsets(%dma_start3A_279 : memref<128xi32, #tpu.memory_space<vmem>>) semaphore(%arg16 : memref<!tpu.dma_semaphore, #tpu.memory_space<semaphore_mem>>)
      %mul3A_283 = arith.constant 4 : i32
      %mul3A_284 = arith.muli %add3A_191, %mul3A_283 : i32
      %add3A_285 = arith.constant 3 : i32
      %add3A_286 = arith.addi %mul3A_284, %add3A_285 : i32
      %dma_start3A_287 = arith.constant 728 : i32
      %dma_start3A_288 = arith.constant 0 : i32
      %dma_start3A_289 = tpu.memref_slice %arg11[%dma_start3A_287, %dma_start3A_288] : memref<800x64xf32, #tpu.memory_space<vmem>> -> memref<72x64xf32, #tpu.memory_space<vmem>>
      %dma_start3A_290 = arith.constant 128 : i32
      %dma_start3A_291 = tpu.memref_slice %arg7[%add3A_286, %dma_start3A_290] : memref<32x200xi32, #tpu.memory_space<vmem>> -> memref<1x72xi32, #tpu.memory_space<vmem>>
      %dma_start3A_292 = tpu.memref_squeeze %dma_start3A_291 : memref<1x72xi32, #tpu.memory_space<vmem>> -> memref<72xi32, #tpu.memory_space<vmem>>
      %dma_start3A_293 = arith.constant 0 : i32
      %dma_start3A_294 = arith.constant 0 : i32
      %dma_start3A_295 = tpu.memref_slice %arg3[%dma_start3A_293, %dma_start3A_294] : memref<100000x64xf32, #tpu.memory_space<hbm>> -> memref<100000x64xf32, #tpu.memory_space<hbm>>
      tpu.enqueue_indirect_dma source(%dma_start3A_295 : memref<100000x64xf32, #tpu.memory_space<hbm>>) target(%dma_start3A_289 : memref<72x64xf32, #tpu.memory_space<vmem>>) offsets(%dma_start3A_292 : memref<72xi32, #tpu.memory_space<vmem>>) semaphore(%arg16 : memref<!tpu.dma_semaphore, #tpu.memory_space<semaphore_mem>>)
      %dma_wait3A = arith.constant 0 : i32
      %dma_wait3A_296 = arith.constant 0 : i32
      %dma_wait3A_297 = arith.constant 0 : i32
      %dma_wait3A_298 = tpu.memref_slice %arg10[%dma_wait3A_296, %dma_wait3A_297] : memref<800x64xf32, #tpu.memory_space<vmem>> -> memref<128x64xf32, #tpu.memory_space<vmem>>
      %dma_wait3A_299 = arith.constant 0 : i32
      %dma_wait3A_300 = tpu.memref_slice %arg7[%dma_wait3A, %dma_wait3A_299] : memref<32x200xi32, #tpu.memory_space<vmem>> -> memref<1x128xi32, #tpu.memory_space<vmem>>
      %dma_wait3A_301 = tpu.memref_squeeze %dma_wait3A_300 : memref<1x128xi32, #tpu.memory_space<vmem>> -> memref<128xi32, #tpu.memory_space<vmem>>
      %dma_wait3A_302 = arith.constant 0 : i32
      %dma_wait3A_303 = arith.constant 0 : i32
      %dma_wait3A_304 = tpu.memref_slice %arg3[%dma_wait3A_302, %dma_wait3A_303] : memref<100000x64xf32, #tpu.memory_space<hbm>> -> memref<100000x64xf32, #tpu.memory_space<hbm>>
      tpu.wait_indirect_dma semaphore(%arg15 : memref<!tpu.dma_semaphore, #tpu.memory_space<semaphore_mem>>) src(%dma_wait3A_304 : memref<100000x64xf32, #tpu.memory_space<hbm>>) dst(%dma_wait3A_298 : memref<128x64xf32, #tpu.memory_space<vmem>>)
      %dma_wait3A_305 = arith.constant 0 : i32
      %dma_wait3A_306 = arith.constant 128 : i32
      %dma_wait3A_307 = arith.constant 0 : i32
      %dma_wait3A_308 = tpu.memref_slice %arg10[%dma_wait3A_306, %dma_wait3A_307] : memref<800x64xf32, #tpu.memory_space<vmem>> -> memref<72x64xf32, #tpu.memory_space<vmem>>
      %dma_wait3A_309 = arith.constant 128 : i32
      %dma_wait3A_310 = tpu.memref_slice %arg7[%dma_wait3A_305, %dma_wait3A_309] : memref<32x200xi32, #tpu.memory_space<vmem>> -> memref<1x72xi32, #tpu.memory_space<vmem>>
      %dma_wait3A_311 = tpu.memref_squeeze %dma_wait3A_310 : memref<1x72xi32, #tpu.memory_space<vmem>> -> memref<72xi32, #tpu.memory_space<vmem>>
      %dma_wait3A_312 = arith.constant 0 : i32
      %dma_wait3A_313 = arith.constant 0 : i32
      %dma_wait3A_314 = tpu.memref_slice %arg3[%dma_wait3A_312, %dma_wait3A_313] : memref<100000x64xf32, #tpu.memory_space<hbm>> -> memref<100000x64xf32, #tpu.memory_space<hbm>>
      tpu.wait_indirect_dma semaphore(%arg15 : memref<!tpu.dma_semaphore, #tpu.memory_space<semaphore_mem>>) src(%dma_wait3A_314 : memref<100000x64xf32, #tpu.memory_space<hbm>>) dst(%dma_wait3A_308 : memref<72x64xf32, #tpu.memory_space<vmem>>)
      %dma_wait3A_315 = arith.constant 1 : i32
      %dma_wait3A_316 = arith.constant 200 : i32
      %dma_wait3A_317 = arith.constant 0 : i32
      %dma_wait3A_318 = tpu.memref_slice %arg10[%dma_wait3A_316, %dma_wait3A_317] : memref<800x64xf32, #tpu.memory_space<vmem>> -> memref<128x64xf32, #tpu.memory_space<vmem>>
      %dma_wait3A_319 = arith.constant 0 : i32
      %dma_wait3A_320 = tpu.memref_slice %arg7[%dma_wait3A_315, %dma_wait3A_319] : memref<32x200xi32, #tpu.memory_space<vmem>> -> memref<1x128xi32, #tpu.memory_space<vmem>>
      %dma_wait3A_321 = tpu.memref_squeeze %dma_wait3A_320 : memref<1x128xi32, #tpu.memory_space<vmem>> -> memref<128xi32, #tpu.memory_space<vmem>>
      %dma_wait3A_322 = arith.constant 0 : i32
      %dma_wait3A_323 = arith.constant 0 : i32
      %dma_wait3A_324 = tpu.memref_slice %arg3[%dma_wait3A_322, %dma_wait3A_323] : memref<100000x64xf32, #tpu.memory_space<hbm>> -> memref<100000x64xf32, #tpu.memory_space<hbm>>
      tpu.wait_indirect_dma semaphore(%arg15 : memref<!tpu.dma_semaphore, #tpu.memory_space<semaphore_mem>>) src(%dma_wait3A_324 : memref<100000x64xf32, #tpu.memory_space<hbm>>) dst(%dma_wait3A_318 : memref<128x64xf32, #tpu.memory_space<vmem>>)
      %dma_wait3A_325 = arith.constant 1 : i32
      %dma_wait3A_326 = arith.constant 328 : i32
      %dma_wait3A_327 = arith.constant 0 : i32
      %dma_wait3A_328 = tpu.memref_slice %arg10[%dma_wait3A_326, %dma_wait3A_327] : memref<800x64xf32, #tpu.memory_space<vmem>> -> memref<72x64xf32, #tpu.memory_space<vmem>>
      %dma_wait3A_329 = arith.constant 128 : i32
      %dma_wait3A_330 = tpu.memref_slice %arg7[%dma_wait3A_325, %dma_wait3A_329] : memref<32x200xi32, #tpu.memory_space<vmem>> -> memref<1x72xi32, #tpu.memory_space<vmem>>
      %dma_wait3A_331 = tpu.memref_squeeze %dma_wait3A_330 : memref<1x72xi32, #tpu.memory_space<vmem>> -> memref<72xi32, #tpu.memory_space<vmem>>
      %dma_wait3A_332 = arith.constant 0 : i32
      %dma_wait3A_333 = arith.constant 0 : i32
      %dma_wait3A_334 = tpu.memref_slice %arg3[%dma_wait3A_332, %dma_wait3A_333] : memref<100000x64xf32, #tpu.memory_space<hbm>> -> memref<100000x64xf32, #tpu.memory_space<hbm>>
      tpu.wait_indirect_dma semaphore(%arg15 : memref<!tpu.dma_semaphore, #tpu.memory_space<semaphore_mem>>) src(%dma_wait3A_334 : memref<100000x64xf32, #tpu.memory_space<hbm>>) dst(%dma_wait3A_328 : memref<72x64xf32, #tpu.memory_space<vmem>>)
      %dma_wait3A_335 = arith.constant 2 : i32
      %dma_wait3A_336 = arith.constant 400 : i32
      %dma_wait3A_337 = arith.constant 0 : i32
      %dma_wait3A_338 = tpu.memref_slice %arg10[%dma_wait3A_336, %dma_wait3A_337] : memref<800x64xf32, #tpu.memory_space<vmem>> -> memref<128x64xf32, #tpu.memory_space<vmem>>
      %dma_wait3A_339 = arith.constant 0 : i32
      %dma_wait3A_340 = tpu.memref_slice %arg7[%dma_wait3A_335, %dma_wait3A_339] : memref<32x200xi32, #tpu.memory_space<vmem>> -> memref<1x128xi32, #tpu.memory_space<vmem>>
      %dma_wait3A_341 = tpu.memref_squeeze %dma_wait3A_340 : memref<1x128xi32, #tpu.memory_space<vmem>> -> memref<128xi32, #tpu.memory_space<vmem>>
      %dma_wait3A_342 = arith.constant 0 : i32
      %dma_wait3A_343 = arith.constant 0 : i32
      %dma_wait3A_344 = tpu.memref_slice %arg3[%dma_wait3A_342, %dma_wait3A_343] : memref<100000x64xf32, #tpu.memory_space<hbm>> -> memref<100000x64xf32, #tpu.memory_space<hbm>>
      tpu.wait_indirect_dma semaphore(%arg15 : memref<!tpu.dma_semaphore, #tpu.memory_space<semaphore_mem>>) src(%dma_wait3A_344 : memref<100000x64xf32, #tpu.memory_space<hbm>>) dst(%dma_wait3A_338 : memref<128x64xf32, #tpu.memory_space<vmem>>)
      %dma_wait3A_345 = arith.constant 2 : i32
      %dma_wait3A_346 = arith.constant 528 : i32
      %dma_wait3A_347 = arith.constant 0 : i32
      %dma_wait3A_348 = tpu.memref_slice %arg10[%dma_wait3A_346, %dma_wait3A_347] : memref<800x64xf32, #tpu.memory_space<vmem>> -> memref<72x64xf32, #tpu.memory_space<vmem>>
      %dma_wait3A_349 = arith.constant 128 : i32
      %dma_wait3A_350 = tpu.memref_slice %arg7[%dma_wait3A_345, %dma_wait3A_349] : memref<32x200xi32, #tpu.memory_space<vmem>> -> memref<1x72xi32, #tpu.memory_space<vmem>>
      %dma_wait3A_351 = tpu.memref_squeeze %dma_wait3A_350 : memref<1x72xi32, #tpu.memory_space<vmem>> -> memref<72xi32, #tpu.memory_space<vmem>>
      %dma_wait3A_352 = arith.constant 0 : i32
      %dma_wait3A_353 = arith.constant 0 : i32
      %dma_wait3A_354 = tpu.memref_slice %arg3[%dma_wait3A_352, %dma_wait3A_353] : memref<100000x64xf32, #tpu.memory_space<hbm>> -> memref<100000x64xf32, #tpu.memory_space<hbm>>
      tpu.wait_indirect_dma semaphore(%arg15 : memref<!tpu.dma_semaphore, #tpu.memory_space<semaphore_mem>>) src(%dma_wait3A_354 : memref<100000x64xf32, #tpu.memory_space<hbm>>) dst(%dma_wait3A_348 : memref<72x64xf32, #tpu.memory_space<vmem>>)
      %dma_wait3A_355 = arith.constant 3 : i32
      %dma_wait3A_356 = arith.constant 600 : i32
      %dma_wait3A_357 = arith.constant 0 : i32
      %dma_wait3A_358 = tpu.memref_slice %arg10[%dma_wait3A_356, %dma_wait3A_357] : memref<800x64xf32, #tpu.memory_space<vmem>> -> memref<128x64xf32, #tpu.memory_space<vmem>>
      %dma_wait3A_359 = arith.constant 0 : i32
      %dma_wait3A_360 = tpu.memref_slice %arg7[%dma_wait3A_355, %dma_wait3A_359] : memref<32x200xi32, #tpu.memory_space<vmem>> -> memref<1x128xi32, #tpu.memory_space<vmem>>
      %dma_wait3A_361 = tpu.memref_squeeze %dma_wait3A_360 : memref<1x128xi32, #tpu.memory_space<vmem>> -> memref<128xi32, #tpu.memory_space<vmem>>
      %dma_wait3A_362 = arith.constant 0 : i32
      %dma_wait3A_363 = arith.constant 0 : i32
      %dma_wait3A_364 = tpu.memref_slice %arg3[%dma_wait3A_362, %dma_wait3A_363] : memref<100000x64xf32, #tpu.memory_space<hbm>> -> memref<100000x64xf32, #tpu.memory_space<hbm>>
      tpu.wait_indirect_dma semaphore(%arg15 : memref<!tpu.dma_semaphore, #tpu.memory_space<semaphore_mem>>) src(%dma_wait3A_364 : memref<100000x64xf32, #tpu.memory_space<hbm>>) dst(%dma_wait3A_358 : memref<128x64xf32, #tpu.memory_space<vmem>>)
      %dma_wait3A_365 = arith.constant 3 : i32
      %dma_wait3A_366 = arith.constant 728 : i32
      %dma_wait3A_367 = arith.constant 0 : i32
      %dma_wait3A_368 = tpu.memref_slice %arg10[%dma_wait3A_366, %dma_wait3A_367] : memref<800x64xf32, #tpu.memory_space<vmem>> -> memref<72x64xf32, #tpu.memory_space<vmem>>
      %dma_wait3A_369 = arith.constant 128 : i32
      %dma_wait3A_370 = tpu.memref_slice %arg7[%dma_wait3A_365, %dma_wait3A_369] : memref<32x200xi32, #tpu.memory_space<vmem>> -> memref<1x72xi32, #tpu.memory_space<vmem>>
      %dma_wait3A_371 = tpu.memref_squeeze %dma_wait3A_370 : memref<1x72xi32, #tpu.memory_space<vmem>> -> memref<72xi32, #tpu.memory_space<vmem>>
      %dma_wait3A_372 = arith.constant 0 : i32
      %dma_wait3A_373 = arith.constant 0 : i32
      %dma_wait3A_374 = tpu.memref_slice %arg3[%dma_wait3A_372, %dma_wait3A_373] : memref<100000x64xf32, #tpu.memory_space<hbm>> -> memref<100000x64xf32, #tpu.memory_space<hbm>>
      tpu.wait_indirect_dma semaphore(%arg15 : memref<!tpu.dma_semaphore, #tpu.memory_space<semaphore_mem>>) src(%dma_wait3A_374 : memref<100000x64xf32, #tpu.memory_space<hbm>>) dst(%dma_wait3A_368 : memref<72x64xf32, #tpu.memory_space<vmem>>)
      %broadcast_in_dim3A = arith.constant 0.000000e+00 : f32
      %broadcast_in_dim3A_375 = vector.broadcast %broadcast_in_dim3A : f32 to vector<16xf32>
      %scan3A_376 = arith.constant 0 : i32
      %scan3A_377 = arith.constant 200 : i32
      %scan3A_378 = arith.addi %scan3A_376, %scan3A_377 : i32
      %scan3A_379 = arith.constant 1 : i32
      %scan3A_380:8 = scf.for %scan3A_601 = %scan3A_376 to %scan3A_378 step %scan3A_379 iter_args(%scan3A_602 = %broadcast_in_dim3A_375, %scan3A_603 = %broadcast_in_dim3A_375, %scan3A_604 = %broadcast_in_dim3A_375, %scan3A_605 = %broadcast_in_dim3A_375, %scan3A_606 = %broadcast_in_dim3A_375, %scan3A_607 = %broadcast_in_dim3A_375, %scan3A_608 = %broadcast_in_dim3A_375, %scan3A_609 = %broadcast_in_dim3A_375) -> (vector<16xf32>, vector<16xf32>, vector<16xf32>, vector<16xf32>, vector<16xf32>, vector<16xf32>, vector<16xf32>, vector<16xf32>)  : i32 {
        %mul3A_610 = arith.constant 2 : i32
        %mul3A_611 = arith.muli %scan3A_601, %mul3A_610 : i32
        %mul3A_612 = arith.constant 64 : i32
        %mul3A_613 = arith.muli %mul3A_611, %mul3A_612 : i32
        %add3A_614 = arith.constant 0 : i32
        %add3A_615 = arith.addi %mul3A_613, %add3A_614 : i32
        %get3A_616 = arith.index_cast %add3A_615 : i32 to index
        %get3A_617 = tpu.vector_load %arg8[%get3A_616] {strides = array<i32>} : memref<25600xbf16, #tpu.memory_space<vmem>>, vector<32xbf16>,
        %unpack3A = tpu.unpack_subelements %get3A_617, 0 {pack_format = #tpu.pack_format<interleaved>} : vector<32xbf16> -> vector<16xf32>
        %unpack3A_618 = tpu.unpack_subelements %get3A_617, 1 {pack_format = #tpu.pack_format<interleaved>} : vector<32xbf16> -> vector<16xf32>
        %add3A_619 = arith.constant 32 : i32
        %add3A_620 = arith.addi %mul3A_613, %add3A_619 : i32
        %get3A_621 = arith.index_cast %add3A_620 : i32 to index
        %get3A_622 = tpu.vector_load %arg8[%get3A_621] {strides = array<i32>} : memref<25600xbf16, #tpu.memory_space<vmem>>, vector<32xbf16>,
        %unpack3A_623 = tpu.unpack_subelements %get3A_622, 0 {pack_format = #tpu.pack_format<interleaved>} : vector<32xbf16> -> vector<16xf32>
        %unpack3A_624 = tpu.unpack_subelements %get3A_622, 1 {pack_format = #tpu.pack_format<interleaved>} : vector<32xbf16> -> vector<16xf32>
        %add3A_625 = arith.constant 64 : i32
        %add3A_626 = arith.addi %mul3A_613, %add3A_625 : i32
        %get3A_627 = arith.index_cast %add3A_626 : i32 to index
        %get3A_628 = tpu.vector_load %arg8[%get3A_627] {strides = array<i32>} : memref<25600xbf16, #tpu.memory_space<vmem>>, vector<32xbf16>,
        %unpack3A_629 = tpu.unpack_subelements %get3A_628, 0 {pack_format = #tpu.pack_format<interleaved>} : vector<32xbf16> -> vector<16xf32>
        %unpack3A_630 = tpu.unpack_subelements %get3A_628, 1 {pack_format = #tpu.pack_format<interleaved>} : vector<32xbf16> -> vector<16xf32>
        %add3A_631 = arith.constant 96 : i32
        %add3A_632 = arith.addi %mul3A_613, %add3A_631 : i32
        %get3A_633 = arith.index_cast %add3A_632 : i32 to index
        %get3A_634 = tpu.vector_load %arg8[%get3A_633] {strides = array<i32>} : memref<25600xbf16, #tpu.memory_space<vmem>>, vector<32xbf16>,
        %unpack3A_635 = tpu.unpack_subelements %get3A_634, 0 {pack_format = #tpu.pack_format<interleaved>} : vector<32xbf16> -> vector<16xf32>
        %unpack3A_636 = tpu.unpack_subelements %get3A_634, 1 {pack_format = #tpu.pack_format<interleaved>} : vector<32xbf16> -> vector<16xf32>
        %add3A_637 = arith.constant 0 : i32
        %add3A_638 = arith.addi %add3A_637, %scan3A_601 : i32
        %get3A_639 = arith.index_cast %add3A_638 : i32 to index
        %get3A_640 = arith.constant 0 : index
        %get3A_641 = tpu.vector_load %arg10[%get3A_639, %get3A_640] {strides = array<i32>} : memref<800x64xf32, #tpu.memory_space<vmem>>, vector<16xf32>,
        %mul3A_642 = arith.mulf %get3A_641, %unpack3A : vector<16xf32>
        %add3A_643 = arith.addf %scan3A_602, %mul3A_642 : vector<16xf32>
        %mul3A_644 = arith.mulf %get3A_641, %unpack3A_618 : vector<16xf32>
        %add3A_645 = arith.addf %scan3A_603, %mul3A_644 : vector<16xf32>
        %get3A_646 = arith.index_cast %add3A_638 : i32 to index
        %get3A_647 = arith.constant 16 : index
        %get3A_648 = tpu.vector_load %arg10[%get3A_646, %get3A_647] {strides = array<i32>} : memref<800x64xf32, #tpu.memory_space<vmem>>, vector<16xf32>,
        %mul3A_649 = arith.mulf %get3A_648, %unpack3A_623 : vector<16xf32>
        %add3A_650 = arith.addf %add3A_643, %mul3A_649 : vector<16xf32>
        %mul3A_651 = arith.mulf %get3A_648, %unpack3A_624 : vector<16xf32>
        %add3A_652 = arith.addf %add3A_645, %mul3A_651 : vector<16xf32>
        %get3A_653 = arith.index_cast %add3A_638 : i32 to index
        %get3A_654 = arith.constant 32 : index
        %get3A_655 = tpu.vector_load %arg10[%get3A_653, %get3A_654] {strides = array<i32>} : memref<800x64xf32, #tpu.memory_space<vmem>>, vector<16xf32>,
        %mul3A_656 = arith.mulf %get3A_655, %unpack3A_629 : vector<16xf32>
        %add3A_657 = arith.addf %add3A_650, %mul3A_656 : vector<16xf32>
        %mul3A_658 = arith.mulf %get3A_655, %unpack3A_630 : vector<16xf32>
        %add3A_659 = arith.addf %add3A_652, %mul3A_658 : vector<16xf32>
        %get3A_660 = arith.index_cast %add3A_638 : i32 to index
        %get3A_661 = arith.constant 48 : index
        %get3A_662 = tpu.vector_load %arg10[%get3A_660, %get3A_661] {strides = array<i32>} : memref<800x64xf32, #tpu.memory_space<vmem>>, vector<16xf32>,
        %mul3A_663 = arith.mulf %get3A_662, %unpack3A_635 : vector<16xf32>
        %add3A_664 = arith.addf %add3A_657, %mul3A_663 : vector<16xf32>
        %mul3A_665 = arith.mulf %get3A_662, %unpack3A_636 : vector<16xf32>
        %add3A_666 = arith.addf %add3A_659, %mul3A_665 : vector<16xf32>
        %add3A_667 = arith.constant 200 : i32
        %add3A_668 = arith.addi %add3A_667, %scan3A_601 : i32
        %get3A_669 = arith.index_cast %add3A_668 : i32 to index
        %get3A_670 = arith.constant 0 : index
        %get3A_671 = tpu.vector_load %arg10[%get3A_669, %get3A_670] {strides = array<i32>} : memref<800x64xf32, #tpu.memory_space<vmem>>, vector<16xf32>,
        %mul3A_672 = arith.mulf %get3A_671, %unpack3A : vector<16xf32>
        %add3A_673 = arith.addf %scan3A_604, %mul3A_672 : vector<16xf32>
        %mul3A_674 = arith.mulf %get3A_671, %unpack3A_618 : vector<16xf32>
        %add3A_675 = arith.addf %scan3A_605, %mul3A_674 : vector<16xf32>
        %get3A_676 = arith.index_cast %add3A_668 : i32 to index
        %get3A_677 = arith.constant 16 : index
        %get3A_678 = tpu.vector_load %arg10[%get3A_676, %get3A_677] {strides = array<i32>} : memref<800x64xf32, #tpu.memory_space<vmem>>, vector<16xf32>,
        %mul3A_679 = arith.mulf %get3A_678, %unpack3A_623 : vector<16xf32>
        %add3A_680 = arith.addf %add3A_673, %mul3A_679 : vector<16xf32>
        %mul3A_681 = arith.mulf %get3A_678, %unpack3A_624 : vector<16xf32>
        %add3A_682 = arith.addf %add3A_675, %mul3A_681 : vector<16xf32>
        %get3A_683 = arith.index_cast %add3A_668 : i32 to index
        %get3A_684 = arith.constant 32 : index
        %get3A_685 = tpu.vector_load %arg10[%get3A_683, %get3A_684] {strides = array<i32>} : memref<800x64xf32, #tpu.memory_space<vmem>>, vector<16xf32>,
        %mul3A_686 = arith.mulf %get3A_685, %unpack3A_629 : vector<16xf32>
        %add3A_687 = arith.addf %add3A_680, %mul3A_686 : vector<16xf32>
        %mul3A_688 = arith.mulf %get3A_685, %unpack3A_630 : vector<16xf32>
        %add3A_689 = arith.addf %add3A_682, %mul3A_688 : vector<16xf32>
        %get3A_690 = arith.index_cast %add3A_668 : i32 to index
        %get3A_691 = arith.constant 48 : index
        %get3A_692 = tpu.vector_load %arg10[%get3A_690, %get3A_691] {strides = array<i32>} : memref<800x64xf32, #tpu.memory_space<vmem>>, vector<16xf32>,
        %mul3A_693 = arith.mulf %get3A_692, %unpack3A_635 : vector<16xf32>
        %add3A_694 = arith.addf %add3A_687, %mul3A_693 : vector<16xf32>
        %mul3A_695 = arith.mulf %get3A_692, %unpack3A_636 : vector<16xf32>
        %add3A_696 = arith.addf %add3A_689, %mul3A_695 : vector<16xf32>
        %add3A_697 = arith.constant 400 : i32
        %add3A_698 = arith.addi %add3A_697, %scan3A_601 : i32
        %get3A_699 = arith.index_cast %add3A_698 : i32 to index
        %get3A_700 = arith.constant 0 : index
        %get3A_701 = tpu.vector_load %arg10[%get3A_699, %get3A_700] {strides = array<i32>} : memref<800x64xf32, #tpu.memory_space<vmem>>, vector<16xf32>,
        %mul3A_702 = arith.mulf %get3A_701, %unpack3A : vector<16xf32>
        %add3A_703 = arith.addf %scan3A_606, %mul3A_702 : vector<16xf32>
        %mul3A_704 = arith.mulf %get3A_701, %unpack3A_618 : vector<16xf32>
        %add3A_705 = arith.addf %scan3A_607, %mul3A_704 : vector<16xf32>
        %get3A_706 = arith.index_cast %add3A_698 : i32 to index
        %get3A_707 = arith.constant 16 : index
        %get3A_708 = tpu.vector_load %arg10[%get3A_706, %get3A_707] {strides = array<i32>} : memref<800x64xf32, #tpu.memory_space<vmem>>, vector<16xf32>,
        %mul3A_709 = arith.mulf %get3A_708, %unpack3A_623 : vector<16xf32>
        %add3A_710 = arith.addf %add3A_703, %mul3A_709 : vector<16xf32>
        %mul3A_711 = arith.mulf %get3A_708, %unpack3A_624 : vector<16xf32>
        %add3A_712 = arith.addf %add3A_705, %mul3A_711 : vector<16xf32>
        %get3A_713 = arith.index_cast %add3A_698 : i32 to index
        %get3A_714 = arith.constant 32 : index
        %get3A_715 = tpu.vector_load %arg10[%get3A_713, %get3A_714] {strides = array<i32>} : memref<800x64xf32, #tpu.memory_space<vmem>>, vector<16xf32>,
        %mul3A_716 = arith.mulf %get3A_715, %unpack3A_629 : vector<16xf32>
        %add3A_717 = arith.addf %add3A_710, %mul3A_716 : vector<16xf32>
        %mul3A_718 = arith.mulf %get3A_715, %unpack3A_630 : vector<16xf32>
        %add3A_719 = arith.addf %add3A_712, %mul3A_718 : vector<16xf32>
        %get3A_720 = arith.index_cast %add3A_698 : i32 to index
        %get3A_721 = arith.constant 48 : index
        %get3A_722 = tpu.vector_load %arg10[%get3A_720, %get3A_721] {strides = array<i32>} : memref<800x64xf32, #tpu.memory_space<vmem>>, vector<16xf32>,
        %mul3A_723 = arith.mulf %get3A_722, %unpack3A_635 : vector<16xf32>
        %add3A_724 = arith.addf %add3A_717, %mul3A_723 : vector<16xf32>
        %mul3A_725 = arith.mulf %get3A_722, %unpack3A_636 : vector<16xf32>
        %add3A_726 = arith.addf %add3A_719, %mul3A_725 : vector<16xf32>
        %add3A_727 = arith.constant 600 : i32
        %add3A_728 = arith.addi %add3A_727, %scan3A_601 : i32
        %get3A_729 = arith.index_cast %add3A_728 : i32 to index
        %get3A_730 = arith.constant 0 : index
        %get3A_731 = tpu.vector_load %arg10[%get3A_729, %get3A_730] {strides = array<i32>} : memref<800x64xf32, #tpu.memory_space<vmem>>, vector<16xf32>,
        %mul3A_732 = arith.mulf %get3A_731, %unpack3A : vector<16xf32>
        %add3A_733 = arith.addf %scan3A_608, %mul3A_732 : vector<16xf32>
        %mul3A_734 = arith.mulf %get3A_731, %unpack3A_618 : vector<16xf32>
        %add3A_735 = arith.addf %scan3A_609, %mul3A_734 : vector<16xf32>
        %get3A_736 = arith.index_cast %add3A_728 : i32 to index
        %get3A_737 = arith.constant 16 : index
        %get3A_738 = tpu.vector_load %arg10[%get3A_736, %get3A_737] {strides = array<i32>} : memref<800x64xf32, #tpu.memory_space<vmem>>, vector<16xf32>,
        %mul3A_739 = arith.mulf %get3A_738, %unpack3A_623 : vector<16xf32>
        %add3A_740 = arith.addf %add3A_733, %mul3A_739 : vector<16xf32>
        %mul3A_741 = arith.mulf %get3A_738, %unpack3A_624 : vector<16xf32>
        %add3A_742 = arith.addf %add3A_735, %mul3A_741 : vector<16xf32>
        %get3A_743 = arith.index_cast %add3A_728 : i32 to index
        %get3A_744 = arith.constant 32 : index
        %get3A_745 = tpu.vector_load %arg10[%get3A_743, %get3A_744] {strides = array<i32>} : memref<800x64xf32, #tpu.memory_space<vmem>>, vector<16xf32>,
        %mul3A_746 = arith.mulf %get3A_745, %unpack3A_629 : vector<16xf32>
        %add3A_747 = arith.addf %add3A_740, %mul3A_746 : vector<16xf32>
        %mul3A_748 = arith.mulf %get3A_745, %unpack3A_630 : vector<16xf32>
        %add3A_749 = arith.addf %add3A_742, %mul3A_748 : vector<16xf32>
        %get3A_750 = arith.index_cast %add3A_728 : i32 to index
        %get3A_751 = arith.constant 48 : index
        %get3A_752 = tpu.vector_load %arg10[%get3A_750, %get3A_751] {strides = array<i32>} : memref<800x64xf32, #tpu.memory_space<vmem>>, vector<16xf32>,
        %mul3A_753 = arith.mulf %get3A_752, %unpack3A_635 : vector<16xf32>
        %add3A_754 = arith.addf %add3A_747, %mul3A_753 : vector<16xf32>
        %mul3A_755 = arith.mulf %get3A_752, %unpack3A_636 : vector<16xf32>
        %add3A_756 = arith.addf %add3A_749, %mul3A_755 : vector<16xf32>
        scf.yield %add3A_664, %add3A_666, %add3A_694, %add3A_696, %add3A_724, %add3A_726, %add3A_754, %add3A_756 : vector<16xf32>, vector<16xf32>, vector<16xf32>, vector<16xf32>, vector<16xf32>, vector<16xf32>, vector<16xf32>, vector<16xf32>
      }
      %scan3A_381 = arith.constant 200 : i32
      %iota3A = tpu.iota {dimensions = array<i32: 0>} : vector<16xi32>
      %eq3A = arith.constant 0 : i32
      %eq3A_382 = vector.broadcast %eq3A : i32 to vector<16xi32>
      %eq3A_383 = arith.cmpi eq, %iota3A, %eq3A_382 : vector<16xi32>
      %mul3A_384 = arith.constant 4 : i32
      %mul3A_385 = arith.muli %add3A_189, %mul3A_384 : i32
      %add3A_386 = arith.constant 0 : i32
      %add3A_387 = arith.addi %mul3A_385, %add3A_386 : i32
      %broadcast_in_dim3A_388 = vector.broadcast %add3A_387 : i32 to vector<16xi32>
      %reduce_sum3A = arith.constant true
      %reduce_sum3A_389 = vector.broadcast %reduce_sum3A : i1 to vector<16xi1>
      %reduce_sum3A_390 = tpu.scan <sum>, %scan3A_380#0 masked %reduce_sum3A_389 : vector<16xf32>, vector<16xi1> -> vector<16xf32>
      %reduce_sum3A_391 = vector.extract %reduce_sum3A_390[15] : f32 from vector<16xf32>
      %broadcast_in_dim3A_392 = vector.broadcast %reduce_sum3A_391 : f32 to vector<16xf32>
      %reduce_sum3A_393 = arith.constant true
      %reduce_sum3A_394 = vector.broadcast %reduce_sum3A_393 : i1 to vector<16xi1>
      %reduce_sum3A_395 = tpu.scan <sum>, %scan3A_380#1 masked %reduce_sum3A_394 : vector<16xf32>, vector<16xi1> -> vector<16xf32>
      %reduce_sum3A_396 = vector.extract %reduce_sum3A_395[15] : f32 from vector<16xf32>
      %broadcast_in_dim3A_397 = vector.broadcast %reduce_sum3A_396 : f32 to vector<16xf32>
      tpu.vector_store_idx %arg12[%broadcast_in_dim3A_388], %broadcast_in_dim3A_392 masked %eq3A_383 : memref<32xf32, #tpu.memory_space<vmem>>[vector<16xi32>], vector<16xf32>, vector<16xi1>
      tpu.vector_store_idx %arg13[%broadcast_in_dim3A_388], %broadcast_in_dim3A_397 masked %eq3A_383 : memref<32xf32, #tpu.memory_space<vmem>>[vector<16xi32>], vector<16xf32>, vector<16xi1>
      %mul3A_398 = arith.constant 4 : i32
      %mul3A_399 = arith.muli %add3A_189, %mul3A_398 : i32
      %add3A_400 = arith.constant 1 : i32
      %add3A_401 = arith.addi %mul3A_399, %add3A_400 : i32
      %broadcast_in_dim3A_402 = vector.broadcast %add3A_401 : i32 to vector<16xi32>
      %reduce_sum3A_403 = arith.constant true
      %reduce_sum3A_404 = vector.broadcast %reduce_sum3A_403 : i1 to vector<16xi1>
      %reduce_sum3A_405 = tpu.scan <sum>, %scan3A_380#2 masked %reduce_sum3A_404 : vector<16xf32>, vector<16xi1> -> vector<16xf32>
      %reduce_sum3A_406 = vector.extract %reduce_sum3A_405[15] : f32 from vector<16xf32>
      %broadcast_in_dim3A_407 = vector.broadcast %reduce_sum3A_406 : f32 to vector<16xf32>
      %reduce_sum3A_408 = arith.constant true
      %reduce_sum3A_409 = vector.broadcast %reduce_sum3A_408 : i1 to vector<16xi1>
      %reduce_sum3A_410 = tpu.scan <sum>, %scan3A_380#3 masked %reduce_sum3A_409 : vector<16xf32>, vector<16xi1> -> vector<16xf32>
      %reduce_sum3A_411 = vector.extract %reduce_sum3A_410[15] : f32 from vector<16xf32>
      %broadcast_in_dim3A_412 = vector.broadcast %reduce_sum3A_411 : f32 to vector<16xf32>
      tpu.vector_store_idx %arg12[%broadcast_in_dim3A_402], %broadcast_in_dim3A_407 masked %eq3A_383 : memref<32xf32, #tpu.memory_space<vmem>>[vector<16xi32>], vector<16xf32>, vector<16xi1>
      tpu.vector_store_idx %arg13[%broadcast_in_dim3A_402], %broadcast_in_dim3A_412 masked %eq3A_383 : memref<32xf32, #tpu.memory_space<vmem>>[vector<16xi32>], vector<16xf32>, vector<16xi1>
      %mul3A_413 = arith.constant 4 : i32
      %mul3A_414 = arith.muli %add3A_189, %mul3A_413 : i32
      %add3A_415 = arith.constant 2 : i32
      %add3A_416 = arith.addi %mul3A_414, %add3A_415 : i32
      %broadcast_in_dim3A_417 = vector.broadcast %add3A_416 : i32 to vector<16xi32>
      %reduce_sum3A_418 = arith.constant true
      %reduce_sum3A_419 = vector.broadcast %reduce_sum3A_418 : i1 to vector<16xi1>
      %reduce_sum3A_420 = tpu.scan <sum>, %scan3A_380#4 masked %reduce_sum3A_419 : vector<16xf32>, vector<16xi1> -> vector<16xf32>
      %reduce_sum3A_421 = vector.extract %reduce_sum3A_420[15] : f32 from vector<16xf32>
      %broadcast_in_dim3A_422 = vector.broadcast %reduce_sum3A_421 : f32 to vector<16xf32>
      %reduce_sum3A_423 = arith.constant true
      %reduce_sum3A_424 = vector.broadcast %reduce_sum3A_423 : i1 to vector<16xi1>
      %reduce_sum3A_425 = tpu.scan <sum>, %scan3A_380#5 masked %reduce_sum3A_424 : vector<16xf32>, vector<16xi1> -> vector<16xf32>
      %reduce_sum3A_426 = vector.extract %reduce_sum3A_425[15] : f32 from vector<16xf32>
      %broadcast_in_dim3A_427 = vector.broadcast %reduce_sum3A_426 : f32 to vector<16xf32>
      tpu.vector_store_idx %arg12[%broadcast_in_dim3A_417], %broadcast_in_dim3A_422 masked %eq3A_383 : memref<32xf32, #tpu.memory_space<vmem>>[vector<16xi32>], vector<16xf32>, vector<16xi1>
      tpu.vector_store_idx %arg13[%broadcast_in_dim3A_417], %broadcast_in_dim3A_427 masked %eq3A_383 : memref<32xf32, #tpu.memory_space<vmem>>[vector<16xi32>], vector<16xf32>, vector<16xi1>
      %mul3A_428 = arith.constant 4 : i32
      %mul3A_429 = arith.muli %add3A_189, %mul3A_428 : i32
      %add3A_430 = arith.constant 3 : i32
      %add3A_431 = arith.addi %mul3A_429, %add3A_430 : i32
      %broadcast_in_dim3A_432 = vector.broadcast %add3A_431 : i32 to vector<16xi32>
      %reduce_sum3A_433 = arith.constant true
      %reduce_sum3A_434 = vector.broadcast %reduce_sum3A_433 : i1 to vector<16xi1>
      %reduce_sum3A_435 = tpu.scan <sum>, %scan3A_380#6 masked %reduce_sum3A_434 : vector<16xf32>, vector<16xi1> -> vector<16xf32>
      %reduce_sum3A_436 = vector.extract %reduce_sum3A_435[15] : f32 from vector<16xf32>
      %broadcast_in_dim3A_437 = vector.broadcast %reduce_sum3A_436 : f32 to vector<16xf32>
      %reduce_sum3A_438 = arith.constant true
      %reduce_sum3A_439 = vector.broadcast %reduce_sum3A_438 : i1 to vector<16xi1>
      %reduce_sum3A_440 = tpu.scan <sum>, %scan3A_380#7 masked %reduce_sum3A_439 : vector<16xf32>, vector<16xi1> -> vector<16xf32>
      %reduce_sum3A_441 = vector.extract %reduce_sum3A_440[15] : f32 from vector<16xf32>
      %broadcast_in_dim3A_442 = vector.broadcast %reduce_sum3A_441 : f32 to vector<16xf32>
      tpu.vector_store_idx %arg12[%broadcast_in_dim3A_432], %broadcast_in_dim3A_437 masked %eq3A_383 : memref<32xf32, #tpu.memory_space<vmem>>[vector<16xi32>], vector<16xf32>, vector<16xi1>
      tpu.vector_store_idx %arg13[%broadcast_in_dim3A_432], %broadcast_in_dim3A_442 masked %eq3A_383 : memref<32xf32, #tpu.memory_space<vmem>>[vector<16xi32>], vector<16xf32>, vector<16xi1>
      %add3A_443 = arith.constant 2 : i32
      %add3A_444 = arith.addi %add3A_189, %add3A_443 : i32
      %lt3A = arith.constant 8 : i32
      %lt3A_445 = arith.cmpi slt, %add3A_444, %lt3A : i32
      %convert_element_type3A = arith.extui %lt3A_445 : i1 to i32
      %cond3A = arith.constant 0 : i32
      %cond3A_446 = arith.cmpi ne, %convert_element_type3A, %cond3A : i32
      scf.if %cond3A_446 {
        %add3A_601 = arith.constant 2 : i32
        %add3A_602 = arith.addi %add3A_189, %add3A_601 : i32
        %mul3A_603 = arith.constant 4 : i32
        %mul3A_604 = arith.muli %add3A_602, %mul3A_603 : i32
        %add3A_605 = arith.constant 0 : i32
        %add3A_606 = arith.addi %mul3A_604, %add3A_605 : i32
        %dma_start3A_607 = arith.constant 0 : i32
        %dma_start3A_608 = arith.constant 0 : i32
        %dma_start3A_609 = tpu.memref_slice %arg10[%dma_start3A_607, %dma_start3A_608] : memref<800x64xf32, #tpu.memory_space<vmem>> -> memref<128x64xf32, #tpu.memory_space<vmem>>
        %dma_start3A_610 = arith.constant 0 : i32
        %dma_start3A_611 = tpu.memref_slice %arg7[%add3A_606, %dma_start3A_610] : memref<32x200xi32, #tpu.memory_space<vmem>> -> memref<1x128xi32, #tpu.memory_space<vmem>>
        %dma_start3A_612 = tpu.memref_squeeze %dma_start3A_611 : memref<1x128xi32, #tpu.memory_space<vmem>> -> memref<128xi32, #tpu.memory_space<vmem>>
        %dma_start3A_613 = arith.constant 0 : i32
        %dma_start3A_614 = arith.constant 0 : i32
        %dma_start3A_615 = tpu.memref_slice %arg3[%dma_start3A_613, %dma_start3A_614] : memref<100000x64xf32, #tpu.memory_space<hbm>> -> memref<100000x64xf32, #tpu.memory_space<hbm>>
        tpu.enqueue_indirect_dma source(%dma_start3A_615 : memref<100000x64xf32, #tpu.memory_space<hbm>>) target(%dma_start3A_609 : memref<128x64xf32, #tpu.memory_space<vmem>>) offsets(%dma_start3A_612 : memref<128xi32, #tpu.memory_space<vmem>>) semaphore(%arg15 : memref<!tpu.dma_semaphore, #tpu.memory_space<semaphore_mem>>)
        %mul3A_616 = arith.constant 4 : i32
        %mul3A_617 = arith.muli %add3A_602, %mul3A_616 : i32
        %add3A_618 = arith.constant 0 : i32
        %add3A_619 = arith.addi %mul3A_617, %add3A_618 : i32
        %dma_start3A_620 = arith.constant 128 : i32
        %dma_start3A_621 = arith.constant 0 : i32
        %dma_start3A_622 = tpu.memref_slice %arg10[%dma_start3A_620, %dma_start3A_621] : memref<800x64xf32, #tpu.memory_space<vmem>> -> memref<72x64xf32, #tpu.memory_space<vmem>>
        %dma_start3A_623 = arith.constant 128 : i32
        %dma_start3A_624 = tpu.memref_slice %arg7[%add3A_619, %dma_start3A_623] : memref<32x200xi32, #tpu.memory_space<vmem>> -> memref<1x72xi32, #tpu.memory_space<vmem>>
        %dma_start3A_625 = tpu.memref_squeeze %dma_start3A_624 : memref<1x72xi32, #tpu.memory_space<vmem>> -> memref<72xi32, #tpu.memory_space<vmem>>
        %dma_start3A_626 = arith.constant 0 : i32
        %dma_start3A_627 = arith.constant 0 : i32
        %dma_start3A_628 = tpu.memref_slice %arg3[%dma_start3A_626, %dma_start3A_627] : memref<100000x64xf32, #tpu.memory_space<hbm>> -> memref<100000x64xf32, #tpu.memory_space<hbm>>
        tpu.enqueue_indirect_dma source(%dma_start3A_628 : memref<100000x64xf32, #tpu.memory_space<hbm>>) target(%dma_start3A_622 : memref<72x64xf32, #tpu.memory_space<vmem>>) offsets(%dma_start3A_625 : memref<72xi32, #tpu.memory_space<vmem>>) semaphore(%arg15 : memref<!tpu.dma_semaphore, #tpu.memory_space<semaphore_mem>>)
        %mul3A_629 = arith.constant 4 : i32
        %mul3A_630 = arith.muli %add3A_602, %mul3A_629 : i32
        %add3A_631 = arith.constant 1 : i32
        %add3A_632 = arith.addi %mul3A_630, %add3A_631 : i32
        %dma_start3A_633 = arith.constant 200 : i32
        %dma_start3A_634 = arith.constant 0 : i32
        %dma_start3A_635 = tpu.memref_slice %arg10[%dma_start3A_633, %dma_start3A_634] : memref<800x64xf32, #tpu.memory_space<vmem>> -> memref<128x64xf32, #tpu.memory_space<vmem>>
        %dma_start3A_636 = arith.constant 0 : i32
        %dma_start3A_637 = tpu.memref_slice %arg7[%add3A_632, %dma_start3A_636] : memref<32x200xi32, #tpu.memory_space<vmem>> -> memref<1x128xi32, #tpu.memory_space<vmem>>
        %dma_start3A_638 = tpu.memref_squeeze %dma_start3A_637 : memref<1x128xi32, #tpu.memory_space<vmem>> -> memref<128xi32, #tpu.memory_space<vmem>>
        %dma_start3A_639 = arith.constant 0 : i32
        %dma_start3A_640 = arith.constant 0 : i32
        %dma_start3A_641 = tpu.memref_slice %arg3[%dma_start3A_639, %dma_start3A_640] : memref<100000x64xf32, #tpu.memory_space<hbm>> -> memref<100000x64xf32, #tpu.memory_space<hbm>>
        tpu.enqueue_indirect_dma source(%dma_start3A_641 : memref<100000x64xf32, #tpu.memory_space<hbm>>) target(%dma_start3A_635 : memref<128x64xf32, #tpu.memory_space<vmem>>) offsets(%dma_start3A_638 : memref<128xi32, #tpu.memory_space<vmem>>) semaphore(%arg15 : memref<!tpu.dma_semaphore, #tpu.memory_space<semaphore_mem>>)
        %mul3A_642 = arith.constant 4 : i32
        %mul3A_643 = arith.muli %add3A_602, %mul3A_642 : i32
        %add3A_644 = arith.constant 1 : i32
        %add3A_645 = arith.addi %mul3A_643, %add3A_644 : i32
        %dma_start3A_646 = arith.constant 328 : i32
        %dma_start3A_647 = arith.constant 0 : i32
        %dma_start3A_648 = tpu.memref_slice %arg10[%dma_start3A_646, %dma_start3A_647] : memref<800x64xf32, #tpu.memory_space<vmem>> -> memref<72x64xf32, #tpu.memory_space<vmem>>
        %dma_start3A_649 = arith.constant 128 : i32
        %dma_start3A_650 = tpu.memref_slice %arg7[%add3A_645, %dma_start3A_649] : memref<32x200xi32, #tpu.memory_space<vmem>> -> memref<1x72xi32, #tpu.memory_space<vmem>>
        %dma_start3A_651 = tpu.memref_squeeze %dma_start3A_650 : memref<1x72xi32, #tpu.memory_space<vmem>> -> memref<72xi32, #tpu.memory_space<vmem>>
        %dma_start3A_652 = arith.constant 0 : i32
        %dma_start3A_653 = arith.constant 0 : i32
        %dma_start3A_654 = tpu.memref_slice %arg3[%dma_start3A_652, %dma_start3A_653] : memref<100000x64xf32, #tpu.memory_space<hbm>> -> memref<100000x64xf32, #tpu.memory_space<hbm>>
        tpu.enqueue_indirect_dma source(%dma_start3A_654 : memref<100000x64xf32, #tpu.memory_space<hbm>>) target(%dma_start3A_648 : memref<72x64xf32, #tpu.memory_space<vmem>>) offsets(%dma_start3A_651 : memref<72xi32, #tpu.memory_space<vmem>>) semaphore(%arg15 : memref<!tpu.dma_semaphore, #tpu.memory_space<semaphore_mem>>)
        %mul3A_655 = arith.constant 4 : i32
        %mul3A_656 = arith.muli %add3A_602, %mul3A_655 : i32
        %add3A_657 = arith.constant 2 : i32
        %add3A_658 = arith.addi %mul3A_656, %add3A_657 : i32
        %dma_start3A_659 = arith.constant 400 : i32
        %dma_start3A_660 = arith.constant 0 : i32
        %dma_start3A_661 = tpu.memref_slice %arg10[%dma_start3A_659, %dma_start3A_660] : memref<800x64xf32, #tpu.memory_space<vmem>> -> memref<128x64xf32, #tpu.memory_space<vmem>>
        %dma_start3A_662 = arith.constant 0 : i32
        %dma_start3A_663 = tpu.memref_slice %arg7[%add3A_658, %dma_start3A_662] : memref<32x200xi32, #tpu.memory_space<vmem>> -> memref<1x128xi32, #tpu.memory_space<vmem>>
        %dma_start3A_664 = tpu.memref_squeeze %dma_start3A_663 : memref<1x128xi32, #tpu.memory_space<vmem>> -> memref<128xi32, #tpu.memory_space<vmem>>
        %dma_start3A_665 = arith.constant 0 : i32
        %dma_start3A_666 = arith.constant 0 : i32
        %dma_start3A_667 = tpu.memref_slice %arg3[%dma_start3A_665, %dma_start3A_666] : memref<100000x64xf32, #tpu.memory_space<hbm>> -> memref<100000x64xf32, #tpu.memory_space<hbm>>
        tpu.enqueue_indirect_dma source(%dma_start3A_667 : memref<100000x64xf32, #tpu.memory_space<hbm>>) target(%dma_start3A_661 : memref<128x64xf32, #tpu.memory_space<vmem>>) offsets(%dma_start3A_664 : memref<128xi32, #tpu.memory_space<vmem>>) semaphore(%arg15 : memref<!tpu.dma_semaphore, #tpu.memory_space<semaphore_mem>>)
        %mul3A_668 = arith.constant 4 : i32
        %mul3A_669 = arith.muli %add3A_602, %mul3A_668 : i32
        %add3A_670 = arith.constant 2 : i32
        %add3A_671 = arith.addi %mul3A_669, %add3A_670 : i32
        %dma_start3A_672 = arith.constant 528 : i32
        %dma_start3A_673 = arith.constant 0 : i32
        %dma_start3A_674 = tpu.memref_slice %arg10[%dma_start3A_672, %dma_start3A_673] : memref<800x64xf32, #tpu.memory_space<vmem>> -> memref<72x64xf32, #tpu.memory_space<vmem>>
        %dma_start3A_675 = arith.constant 128 : i32
        %dma_start3A_676 = tpu.memref_slice %arg7[%add3A_671, %dma_start3A_675] : memref<32x200xi32, #tpu.memory_space<vmem>> -> memref<1x72xi32, #tpu.memory_space<vmem>>
        %dma_start3A_677 = tpu.memref_squeeze %dma_start3A_676 : memref<1x72xi32, #tpu.memory_space<vmem>> -> memref<72xi32, #tpu.memory_space<vmem>>
        %dma_start3A_678 = arith.constant 0 : i32
        %dma_start3A_679 = arith.constant 0 : i32
        %dma_start3A_680 = tpu.memref_slice %arg3[%dma_start3A_678, %dma_start3A_679] : memref<100000x64xf32, #tpu.memory_space<hbm>> -> memref<100000x64xf32, #tpu.memory_space<hbm>>
        tpu.enqueue_indirect_dma source(%dma_start3A_680 : memref<100000x64xf32, #tpu.memory_space<hbm>>) target(%dma_start3A_674 : memref<72x64xf32, #tpu.memory_space<vmem>>) offsets(%dma_start3A_677 : memref<72xi32, #tpu.memory_space<vmem>>) semaphore(%arg15 : memref<!tpu.dma_semaphore, #tpu.memory_space<semaphore_mem>>)
        %mul3A_681 = arith.constant 4 : i32
        %mul3A_682 = arith.muli %add3A_602, %mul3A_681 : i32
        %add3A_683 = arith.constant 3 : i32
        %add3A_684 = arith.addi %mul3A_682, %add3A_683 : i32
        %dma_start3A_685 = arith.constant 600 : i32
        %dma_start3A_686 = arith.constant 0 : i32
        %dma_start3A_687 = tpu.memref_slice %arg10[%dma_start3A_685, %dma_start3A_686] : memref<800x64xf32, #tpu.memory_space<vmem>> -> memref<128x64xf32, #tpu.memory_space<vmem>>
        %dma_start3A_688 = arith.constant 0 : i32
        %dma_start3A_689 = tpu.memref_slice %arg7[%add3A_684, %dma_start3A_688] : memref<32x200xi32, #tpu.memory_space<vmem>> -> memref<1x128xi32, #tpu.memory_space<vmem>>
        %dma_start3A_690 = tpu.memref_squeeze %dma_start3A_689 : memref<1x128xi32, #tpu.memory_space<vmem>> -> memref<128xi32, #tpu.memory_space<vmem>>
        %dma_start3A_691 = arith.constant 0 : i32
        %dma_start3A_692 = arith.constant 0 : i32
        %dma_start3A_693 = tpu.memref_slice %arg3[%dma_start3A_691, %dma_start3A_692] : memref<100000x64xf32, #tpu.memory_space<hbm>> -> memref<100000x64xf32, #tpu.memory_space<hbm>>
        tpu.enqueue_indirect_dma source(%dma_start3A_693 : memref<100000x64xf32, #tpu.memory_space<hbm>>) target(%dma_start3A_687 : memref<128x64xf32, #tpu.memory_space<vmem>>) offsets(%dma_start3A_690 : memref<128xi32, #tpu.memory_space<vmem>>) semaphore(%arg15 : memref<!tpu.dma_semaphore, #tpu.memory_space<semaphore_mem>>)
        %mul3A_694 = arith.constant 4 : i32
        %mul3A_695 = arith.muli %add3A_602, %mul3A_694 : i32
        %add3A_696 = arith.constant 3 : i32
        %add3A_697 = arith.addi %mul3A_695, %add3A_696 : i32
        %dma_start3A_698 = arith.constant 728 : i32
        %dma_start3A_699 = arith.constant 0 : i32
        %dma_start3A_700 = tpu.memref_slice %arg10[%dma_start3A_698, %dma_start3A_699] : memref<800x64xf32, #tpu.memory_space<vmem>> -> memref<72x64xf32, #tpu.memory_space<vmem>>
        %dma_start3A_701 = arith.constant 128 : i32
        %dma_start3A_702 = tpu.memref_slice %arg7[%add3A_697, %dma_start3A_701] : memref<32x200xi32, #tpu.memory_space<vmem>> -> memref<1x72xi32, #tpu.memory_space<vmem>>
        %dma_start3A_703 = tpu.memref_squeeze %dma_start3A_702 : memref<1x72xi32, #tpu.memory_space<vmem>> -> memref<72xi32, #tpu.memory_space<vmem>>
        %dma_start3A_704 = arith.constant 0 : i32
        %dma_start3A_705 = arith.constant 0 : i32
        %dma_start3A_706 = tpu.memref_slice %arg3[%dma_start3A_704, %dma_start3A_705] : memref<100000x64xf32, #tpu.memory_space<hbm>> -> memref<100000x64xf32, #tpu.memory_space<hbm>>
        tpu.enqueue_indirect_dma source(%dma_start3A_706 : memref<100000x64xf32, #tpu.memory_space<hbm>>) target(%dma_start3A_700 : memref<72x64xf32, #tpu.memory_space<vmem>>) offsets(%dma_start3A_703 : memref<72xi32, #tpu.memory_space<vmem>>) semaphore(%arg15 : memref<!tpu.dma_semaphore, #tpu.memory_space<semaphore_mem>>)
      } else {
      }
      %dma_wait3A_447 = arith.constant 0 : i32
      %dma_wait3A_448 = arith.constant 0 : i32
      %dma_wait3A_449 = arith.constant 0 : i32
      %dma_wait3A_450 = tpu.memref_slice %arg11[%dma_wait3A_448, %dma_wait3A_449] : memref<800x64xf32, #tpu.memory_space<vmem>> -> memref<128x64xf32, #tpu.memory_space<vmem>>
      %dma_wait3A_451 = arith.constant 0 : i32
      %dma_wait3A_452 = tpu.memref_slice %arg7[%dma_wait3A_447, %dma_wait3A_451] : memref<32x200xi32, #tpu.memory_space<vmem>> -> memref<1x128xi32, #tpu.memory_space<vmem>>
      %dma_wait3A_453 = tpu.memref_squeeze %dma_wait3A_452 : memref<1x128xi32, #tpu.memory_space<vmem>> -> memref<128xi32, #tpu.memory_space<vmem>>
      %dma_wait3A_454 = arith.constant 0 : i32
      %dma_wait3A_455 = arith.constant 0 : i32
      %dma_wait3A_456 = tpu.memref_slice %arg3[%dma_wait3A_454, %dma_wait3A_455] : memref<100000x64xf32, #tpu.memory_space<hbm>> -> memref<100000x64xf32, #tpu.memory_space<hbm>>
      tpu.wait_indirect_dma semaphore(%arg16 : memref<!tpu.dma_semaphore, #tpu.memory_space<semaphore_mem>>) src(%dma_wait3A_456 : memref<100000x64xf32, #tpu.memory_space<hbm>>) dst(%dma_wait3A_450 : memref<128x64xf32, #tpu.memory_space<vmem>>)
      %dma_wait3A_457 = arith.constant 0 : i32
      %dma_wait3A_458 = arith.constant 128 : i32
      %dma_wait3A_459 = arith.constant 0 : i32
      %dma_wait3A_460 = tpu.memref_slice %arg11[%dma_wait3A_458, %dma_wait3A_459] : memref<800x64xf32, #tpu.memory_space<vmem>> -> memref<72x64xf32, #tpu.memory_space<vmem>>
      %dma_wait3A_461 = arith.constant 128 : i32
      %dma_wait3A_462 = tpu.memref_slice %arg7[%dma_wait3A_457, %dma_wait3A_461] : memref<32x200xi32, #tpu.memory_space<vmem>> -> memref<1x72xi32, #tpu.memory_space<vmem>>
      %dma_wait3A_463 = tpu.memref_squeeze %dma_wait3A_462 : memref<1x72xi32, #tpu.memory_space<vmem>> -> memref<72xi32, #tpu.memory_space<vmem>>
      %dma_wait3A_464 = arith.constant 0 : i32
      %dma_wait3A_465 = arith.constant 0 : i32
      %dma_wait3A_466 = tpu.memref_slice %arg3[%dma_wait3A_464, %dma_wait3A_465] : memref<100000x64xf32, #tpu.memory_space<hbm>> -> memref<100000x64xf32, #tpu.memory_space<hbm>>
      tpu.wait_indirect_dma semaphore(%arg16 : memref<!tpu.dma_semaphore, #tpu.memory_space<semaphore_mem>>) src(%dma_wait3A_466 : memref<100000x64xf32, #tpu.memory_space<hbm>>) dst(%dma_wait3A_460 : memref<72x64xf32, #tpu.memory_space<vmem>>)
      %dma_wait3A_467 = arith.constant 1 : i32
      %dma_wait3A_468 = arith.constant 200 : i32
      %dma_wait3A_469 = arith.constant 0 : i32
      %dma_wait3A_470 = tpu.memref_slice %arg11[%dma_wait3A_468, %dma_wait3A_469] : memref<800x64xf32, #tpu.memory_space<vmem>> -> memref<128x64xf32, #tpu.memory_space<vmem>>
      %dma_wait3A_471 = arith.constant 0 : i32
      %dma_wait3A_472 = tpu.memref_slice %arg7[%dma_wait3A_467, %dma_wait3A_471] : memref<32x200xi32, #tpu.memory_space<vmem>> -> memref<1x128xi32, #tpu.memory_space<vmem>>
      %dma_wait3A_473 = tpu.memref_squeeze %dma_wait3A_472 : memref<1x128xi32, #tpu.memory_space<vmem>> -> memref<128xi32, #tpu.memory_space<vmem>>
      %dma_wait3A_474 = arith.constant 0 : i32
      %dma_wait3A_475 = arith.constant 0 : i32
      %dma_wait3A_476 = tpu.memref_slice %arg3[%dma_wait3A_474, %dma_wait3A_475] : memref<100000x64xf32, #tpu.memory_space<hbm>> -> memref<100000x64xf32, #tpu.memory_space<hbm>>
      tpu.wait_indirect_dma semaphore(%arg16 : memref<!tpu.dma_semaphore, #tpu.memory_space<semaphore_mem>>) src(%dma_wait3A_476 : memref<100000x64xf32, #tpu.memory_space<hbm>>) dst(%dma_wait3A_470 : memref<128x64xf32, #tpu.memory_space<vmem>>)
      %dma_wait3A_477 = arith.constant 1 : i32
      %dma_wait3A_478 = arith.constant 328 : i32
      %dma_wait3A_479 = arith.constant 0 : i32
      %dma_wait3A_480 = tpu.memref_slice %arg11[%dma_wait3A_478, %dma_wait3A_479] : memref<800x64xf32, #tpu.memory_space<vmem>> -> memref<72x64xf32, #tpu.memory_space<vmem>>
      %dma_wait3A_481 = arith.constant 128 : i32
      %dma_wait3A_482 = tpu.memref_slice %arg7[%dma_wait3A_477, %dma_wait3A_481] : memref<32x200xi32, #tpu.memory_space<vmem>> -> memref<1x72xi32, #tpu.memory_space<vmem>>
      %dma_wait3A_483 = tpu.memref_squeeze %dma_wait3A_482 : memref<1x72xi32, #tpu.memory_space<vmem>> -> memref<72xi32, #tpu.memory_space<vmem>>
      %dma_wait3A_484 = arith.constant 0 : i32
      %dma_wait3A_485 = arith.constant 0 : i32
      %dma_wait3A_486 = tpu.memref_slice %arg3[%dma_wait3A_484, %dma_wait3A_485] : memref<100000x64xf32, #tpu.memory_space<hbm>> -> memref<100000x64xf32, #tpu.memory_space<hbm>>
      tpu.wait_indirect_dma semaphore(%arg16 : memref<!tpu.dma_semaphore, #tpu.memory_space<semaphore_mem>>) src(%dma_wait3A_486 : memref<100000x64xf32, #tpu.memory_space<hbm>>) dst(%dma_wait3A_480 : memref<72x64xf32, #tpu.memory_space<vmem>>)
      %dma_wait3A_487 = arith.constant 2 : i32
      %dma_wait3A_488 = arith.constant 400 : i32
      %dma_wait3A_489 = arith.constant 0 : i32
      %dma_wait3A_490 = tpu.memref_slice %arg11[%dma_wait3A_488, %dma_wait3A_489] : memref<800x64xf32, #tpu.memory_space<vmem>> -> memref<128x64xf32, #tpu.memory_space<vmem>>
      %dma_wait3A_491 = arith.constant 0 : i32
      %dma_wait3A_492 = tpu.memref_slice %arg7[%dma_wait3A_487, %dma_wait3A_491] : memref<32x200xi32, #tpu.memory_space<vmem>> -> memref<1x128xi32, #tpu.memory_space<vmem>>
      %dma_wait3A_493 = tpu.memref_squeeze %dma_wait3A_492 : memref<1x128xi32, #tpu.memory_space<vmem>> -> memref<128xi32, #tpu.memory_space<vmem>>
      %dma_wait3A_494 = arith.constant 0 : i32
      %dma_wait3A_495 = arith.constant 0 : i32
      %dma_wait3A_496 = tpu.memref_slice %arg3[%dma_wait3A_494, %dma_wait3A_495] : memref<100000x64xf32, #tpu.memory_space<hbm>> -> memref<100000x64xf32, #tpu.memory_space<hbm>>
      tpu.wait_indirect_dma semaphore(%arg16 : memref<!tpu.dma_semaphore, #tpu.memory_space<semaphore_mem>>) src(%dma_wait3A_496 : memref<100000x64xf32, #tpu.memory_space<hbm>>) dst(%dma_wait3A_490 : memref<128x64xf32, #tpu.memory_space<vmem>>)
      %dma_wait3A_497 = arith.constant 2 : i32
      %dma_wait3A_498 = arith.constant 528 : i32
      %dma_wait3A_499 = arith.constant 0 : i32
      %dma_wait3A_500 = tpu.memref_slice %arg11[%dma_wait3A_498, %dma_wait3A_499] : memref<800x64xf32, #tpu.memory_space<vmem>> -> memref<72x64xf32, #tpu.memory_space<vmem>>
      %dma_wait3A_501 = arith.constant 128 : i32
      %dma_wait3A_502 = tpu.memref_slice %arg7[%dma_wait3A_497, %dma_wait3A_501] : memref<32x200xi32, #tpu.memory_space<vmem>> -> memref<1x72xi32, #tpu.memory_space<vmem>>
      %dma_wait3A_503 = tpu.memref_squeeze %dma_wait3A_502 : memref<1x72xi32, #tpu.memory_space<vmem>> -> memref<72xi32, #tpu.memory_space<vmem>>
      %dma_wait3A_504 = arith.constant 0 : i32
      %dma_wait3A_505 = arith.constant 0 : i32
      %dma_wait3A_506 = tpu.memref_slice %arg3[%dma_wait3A_504, %dma_wait3A_505] : memref<100000x64xf32, #tpu.memory_space<hbm>> -> memref<100000x64xf32, #tpu.memory_space<hbm>>
      tpu.wait_indirect_dma semaphore(%arg16 : memref<!tpu.dma_semaphore, #tpu.memory_space<semaphore_mem>>) src(%dma_wait3A_506 : memref<100000x64xf32, #tpu.memory_space<hbm>>) dst(%dma_wait3A_500 : memref<72x64xf32, #tpu.memory_space<vmem>>)
      %dma_wait3A_507 = arith.constant 3 : i32
      %dma_wait3A_508 = arith.constant 600 : i32
      %dma_wait3A_509 = arith.constant 0 : i32
      %dma_wait3A_510 = tpu.memref_slice %arg11[%dma_wait3A_508, %dma_wait3A_509] : memref<800x64xf32, #tpu.memory_space<vmem>> -> memref<128x64xf32, #tpu.memory_space<vmem>>
      %dma_wait3A_511 = arith.constant 0 : i32
      %dma_wait3A_512 = tpu.memref_slice %arg7[%dma_wait3A_507, %dma_wait3A_511] : memref<32x200xi32, #tpu.memory_space<vmem>> -> memref<1x128xi32, #tpu.memory_space<vmem>>
      %dma_wait3A_513 = tpu.memref_squeeze %dma_wait3A_512 : memref<1x128xi32, #tpu.memory_space<vmem>> -> memref<128xi32, #tpu.memory_space<vmem>>
      %dma_wait3A_514 = arith.constant 0 : i32
      %dma_wait3A_515 = arith.constant 0 : i32
      %dma_wait3A_516 = tpu.memref_slice %arg3[%dma_wait3A_514, %dma_wait3A_515] : memref<100000x64xf32, #tpu.memory_space<hbm>> -> memref<100000x64xf32, #tpu.memory_space<hbm>>
      tpu.wait_indirect_dma semaphore(%arg16 : memref<!tpu.dma_semaphore, #tpu.memory_space<semaphore_mem>>) src(%dma_wait3A_516 : memref<100000x64xf32, #tpu.memory_space<hbm>>) dst(%dma_wait3A_510 : memref<128x64xf32, #tpu.memory_space<vmem>>)
      %dma_wait3A_517 = arith.constant 3 : i32
      %dma_wait3A_518 = arith.constant 728 : i32
      %dma_wait3A_519 = arith.constant 0 : i32
      %dma_wait3A_520 = tpu.memref_slice %arg11[%dma_wait3A_518, %dma_wait3A_519] : memref<800x64xf32, #tpu.memory_space<vmem>> -> memref<72x64xf32, #tpu.memory_space<vmem>>
      %dma_wait3A_521 = arith.constant 128 : i32
      %dma_wait3A_522 = tpu.memref_slice %arg7[%dma_wait3A_517, %dma_wait3A_521] : memref<32x200xi32, #tpu.memory_space<vmem>> -> memref<1x72xi32, #tpu.memory_space<vmem>>
      %dma_wait3A_523 = tpu.memref_squeeze %dma_wait3A_522 : memref<1x72xi32, #tpu.memory_space<vmem>> -> memref<72xi32, #tpu.memory_space<vmem>>
      %dma_wait3A_524 = arith.constant 0 : i32
      %dma_wait3A_525 = arith.constant 0 : i32
      %dma_wait3A_526 = tpu.memref_slice %arg3[%dma_wait3A_524, %dma_wait3A_525] : memref<100000x64xf32, #tpu.memory_space<hbm>> -> memref<100000x64xf32, #tpu.memory_space<hbm>>
      tpu.wait_indirect_dma semaphore(%arg16 : memref<!tpu.dma_semaphore, #tpu.memory_space<semaphore_mem>>) src(%dma_wait3A_526 : memref<100000x64xf32, #tpu.memory_space<hbm>>) dst(%dma_wait3A_520 : memref<72x64xf32, #tpu.memory_space<vmem>>)
      %add3A_527 = arith.constant 1 : i32
      %add3A_528 = arith.addi %add3A_189, %add3A_527 : i32
      %broadcast_in_dim3A_529 = arith.constant 0.000000e+00 : f32
      %broadcast_in_dim3A_530 = vector.broadcast %broadcast_in_dim3A_529 : f32 to vector<16xf32>
      %scan3A_531 = arith.constant 0 : i32
      %scan3A_532 = arith.constant 200 : i32
      %scan3A_533 = arith.addi %scan3A_531, %scan3A_532 : i32
      %scan3A_534 = arith.constant 1 : i32
      %scan3A_535:8 = scf.for %scan3A_601 = %scan3A_531 to %scan3A_533 step %scan3A_534 iter_args(%scan3A_602 = %broadcast_in_dim3A_530, %scan3A_603 = %broadcast_in_dim3A_530, %scan3A_604 = %broadcast_in_dim3A_530, %scan3A_605 = %broadcast_in_dim3A_530, %scan3A_606 = %broadcast_in_dim3A_530, %scan3A_607 = %broadcast_in_dim3A_530, %scan3A_608 = %broadcast_in_dim3A_530, %scan3A_609 = %broadcast_in_dim3A_530) -> (vector<16xf32>, vector<16xf32>, vector<16xf32>, vector<16xf32>, vector<16xf32>, vector<16xf32>, vector<16xf32>, vector<16xf32>)  : i32 {
        %mul3A_610 = arith.constant 2 : i32
        %mul3A_611 = arith.muli %scan3A_601, %mul3A_610 : i32
        %mul3A_612 = arith.constant 64 : i32
        %mul3A_613 = arith.muli %mul3A_611, %mul3A_612 : i32
        %add3A_614 = arith.constant 0 : i32
        %add3A_615 = arith.addi %mul3A_613, %add3A_614 : i32
        %get3A_616 = arith.index_cast %add3A_615 : i32 to index
        %get3A_617 = tpu.vector_load %arg8[%get3A_616] {strides = array<i32>} : memref<25600xbf16, #tpu.memory_space<vmem>>, vector<32xbf16>,
        %unpack3A = tpu.unpack_subelements %get3A_617, 0 {pack_format = #tpu.pack_format<interleaved>} : vector<32xbf16> -> vector<16xf32>
        %unpack3A_618 = tpu.unpack_subelements %get3A_617, 1 {pack_format = #tpu.pack_format<interleaved>} : vector<32xbf16> -> vector<16xf32>
        %add3A_619 = arith.constant 32 : i32
        %add3A_620 = arith.addi %mul3A_613, %add3A_619 : i32
        %get3A_621 = arith.index_cast %add3A_620 : i32 to index
        %get3A_622 = tpu.vector_load %arg8[%get3A_621] {strides = array<i32>} : memref<25600xbf16, #tpu.memory_space<vmem>>, vector<32xbf16>,
        %unpack3A_623 = tpu.unpack_subelements %get3A_622, 0 {pack_format = #tpu.pack_format<interleaved>} : vector<32xbf16> -> vector<16xf32>
        %unpack3A_624 = tpu.unpack_subelements %get3A_622, 1 {pack_format = #tpu.pack_format<interleaved>} : vector<32xbf16> -> vector<16xf32>
        %add3A_625 = arith.constant 64 : i32
        %add3A_626 = arith.addi %mul3A_613, %add3A_625 : i32
        %get3A_627 = arith.index_cast %add3A_626 : i32 to index
        %get3A_628 = tpu.vector_load %arg8[%get3A_627] {strides = array<i32>} : memref<25600xbf16, #tpu.memory_space<vmem>>, vector<32xbf16>,
        %unpack3A_629 = tpu.unpack_subelements %get3A_628, 0 {pack_format = #tpu.pack_format<interleaved>} : vector<32xbf16> -> vector<16xf32>
        %unpack3A_630 = tpu.unpack_subelements %get3A_628, 1 {pack_format = #tpu.pack_format<interleaved>} : vector<32xbf16> -> vector<16xf32>
        %add3A_631 = arith.constant 96 : i32
        %add3A_632 = arith.addi %mul3A_613, %add3A_631 : i32
        %get3A_633 = arith.index_cast %add3A_632 : i32 to index
        %get3A_634 = tpu.vector_load %arg8[%get3A_633] {strides = array<i32>} : memref<25600xbf16, #tpu.memory_space<vmem>>, vector<32xbf16>,
        %unpack3A_635 = tpu.unpack_subelements %get3A_634, 0 {pack_format = #tpu.pack_format<interleaved>} : vector<32xbf16> -> vector<16xf32>
        %unpack3A_636 = tpu.unpack_subelements %get3A_634, 1 {pack_format = #tpu.pack_format<interleaved>} : vector<32xbf16> -> vector<16xf32>
        %add3A_637 = arith.constant 0 : i32
        %add3A_638 = arith.addi %add3A_637, %scan3A_601 : i32
        %get3A_639 = arith.index_cast %add3A_638 : i32 to index
        %get3A_640 = arith.constant 0 : index
        %get3A_641 = tpu.vector_load %arg11[%get3A_639, %get3A_640] {strides = array<i32>} : memref<800x64xf32, #tpu.memory_space<vmem>>, vector<16xf32>,
        %mul3A_642 = arith.mulf %get3A_641, %unpack3A : vector<16xf32>
        %add3A_643 = arith.addf %scan3A_602, %mul3A_642 : vector<16xf32>
        %mul3A_644 = arith.mulf %get3A_641, %unpack3A_618 : vector<16xf32>
        %add3A_645 = arith.addf %scan3A_603, %mul3A_644 : vector<16xf32>
        %get3A_646 = arith.index_cast %add3A_638 : i32 to index
        %get3A_647 = arith.constant 16 : index
        %get3A_648 = tpu.vector_load %arg11[%get3A_646, %get3A_647] {strides = array<i32>} : memref<800x64xf32, #tpu.memory_space<vmem>>, vector<16xf32>,
        %mul3A_649 = arith.mulf %get3A_648, %unpack3A_623 : vector<16xf32>
        %add3A_650 = arith.addf %add3A_643, %mul3A_649 : vector<16xf32>
        %mul3A_651 = arith.mulf %get3A_648, %unpack3A_624 : vector<16xf32>
        %add3A_652 = arith.addf %add3A_645, %mul3A_651 : vector<16xf32>
        %get3A_653 = arith.index_cast %add3A_638 : i32 to index
        %get3A_654 = arith.constant 32 : index
        %get3A_655 = tpu.vector_load %arg11[%get3A_653, %get3A_654] {strides = array<i32>} : memref<800x64xf32, #tpu.memory_space<vmem>>, vector<16xf32>,
        %mul3A_656 = arith.mulf %get3A_655, %unpack3A_629 : vector<16xf32>
        %add3A_657 = arith.addf %add3A_650, %mul3A_656 : vector<16xf32>
        %mul3A_658 = arith.mulf %get3A_655, %unpack3A_630 : vector<16xf32>
        %add3A_659 = arith.addf %add3A_652, %mul3A_658 : vector<16xf32>
        %get3A_660 = arith.index_cast %add3A_638 : i32 to index
        %get3A_661 = arith.constant 48 : index
        %get3A_662 = tpu.vector_load %arg11[%get3A_660, %get3A_661] {strides = array<i32>} : memref<800x64xf32, #tpu.memory_space<vmem>>, vector<16xf32>,
        %mul3A_663 = arith.mulf %get3A_662, %unpack3A_635 : vector<16xf32>
        %add3A_664 = arith.addf %add3A_657, %mul3A_663 : vector<16xf32>
        %mul3A_665 = arith.mulf %get3A_662, %unpack3A_636 : vector<16xf32>
        %add3A_666 = arith.addf %add3A_659, %mul3A_665 : vector<16xf32>
        %add3A_667 = arith.constant 200 : i32
        %add3A_668 = arith.addi %add3A_667, %scan3A_601 : i32
        %get3A_669 = arith.index_cast %add3A_668 : i32 to index
        %get3A_670 = arith.constant 0 : index
        %get3A_671 = tpu.vector_load %arg11[%get3A_669, %get3A_670] {strides = array<i32>} : memref<800x64xf32, #tpu.memory_space<vmem>>, vector<16xf32>,
        %mul3A_672 = arith.mulf %get3A_671, %unpack3A : vector<16xf32>
        %add3A_673 = arith.addf %scan3A_604, %mul3A_672 : vector<16xf32>
        %mul3A_674 = arith.mulf %get3A_671, %unpack3A_618 : vector<16xf32>
        %add3A_675 = arith.addf %scan3A_605, %mul3A_674 : vector<16xf32>
        %get3A_676 = arith.index_cast %add3A_668 : i32 to index
        %get3A_677 = arith.constant 16 : index
        %get3A_678 = tpu.vector_load %arg11[%get3A_676, %get3A_677] {strides = array<i32>} : memref<800x64xf32, #tpu.memory_space<vmem>>, vector<16xf32>,
        %mul3A_679 = arith.mulf %get3A_678, %unpack3A_623 : vector<16xf32>
        %add3A_680 = arith.addf %add3A_673, %mul3A_679 : vector<16xf32>
        %mul3A_681 = arith.mulf %get3A_678, %unpack3A_624 : vector<16xf32>
        %add3A_682 = arith.addf %add3A_675, %mul3A_681 : vector<16xf32>
        %get3A_683 = arith.index_cast %add3A_668 : i32 to index
        %get3A_684 = arith.constant 32 : index
        %get3A_685 = tpu.vector_load %arg11[%get3A_683, %get3A_684] {strides = array<i32>} : memref<800x64xf32, #tpu.memory_space<vmem>>, vector<16xf32>,
        %mul3A_686 = arith.mulf %get3A_685, %unpack3A_629 : vector<16xf32>
        %add3A_687 = arith.addf %add3A_680, %mul3A_686 : vector<16xf32>
        %mul3A_688 = arith.mulf %get3A_685, %unpack3A_630 : vector<16xf32>
        %add3A_689 = arith.addf %add3A_682, %mul3A_688 : vector<16xf32>
        %get3A_690 = arith.index_cast %add3A_668 : i32 to index
        %get3A_691 = arith.constant 48 : index
        %get3A_692 = tpu.vector_load %arg11[%get3A_690, %get3A_691] {strides = array<i32>} : memref<800x64xf32, #tpu.memory_space<vmem>>, vector<16xf32>,
        %mul3A_693 = arith.mulf %get3A_692, %unpack3A_635 : vector<16xf32>
        %add3A_694 = arith.addf %add3A_687, %mul3A_693 : vector<16xf32>
        %mul3A_695 = arith.mulf %get3A_692, %unpack3A_636 : vector<16xf32>
        %add3A_696 = arith.addf %add3A_689, %mul3A_695 : vector<16xf32>
        %add3A_697 = arith.constant 400 : i32
        %add3A_698 = arith.addi %add3A_697, %scan3A_601 : i32
        %get3A_699 = arith.index_cast %add3A_698 : i32 to index
        %get3A_700 = arith.constant 0 : index
        %get3A_701 = tpu.vector_load %arg11[%get3A_699, %get3A_700] {strides = array<i32>} : memref<800x64xf32, #tpu.memory_space<vmem>>, vector<16xf32>,
        %mul3A_702 = arith.mulf %get3A_701, %unpack3A : vector<16xf32>
        %add3A_703 = arith.addf %scan3A_606, %mul3A_702 : vector<16xf32>
        %mul3A_704 = arith.mulf %get3A_701, %unpack3A_618 : vector<16xf32>
        %add3A_705 = arith.addf %scan3A_607, %mul3A_704 : vector<16xf32>
        %get3A_706 = arith.index_cast %add3A_698 : i32 to index
        %get3A_707 = arith.constant 16 : index
        %get3A_708 = tpu.vector_load %arg11[%get3A_706, %get3A_707] {strides = array<i32>} : memref<800x64xf32, #tpu.memory_space<vmem>>, vector<16xf32>,
        %mul3A_709 = arith.mulf %get3A_708, %unpack3A_623 : vector<16xf32>
        %add3A_710 = arith.addf %add3A_703, %mul3A_709 : vector<16xf32>
        %mul3A_711 = arith.mulf %get3A_708, %unpack3A_624 : vector<16xf32>
        %add3A_712 = arith.addf %add3A_705, %mul3A_711 : vector<16xf32>
        %get3A_713 = arith.index_cast %add3A_698 : i32 to index
        %get3A_714 = arith.constant 32 : index
        %get3A_715 = tpu.vector_load %arg11[%get3A_713, %get3A_714] {strides = array<i32>} : memref<800x64xf32, #tpu.memory_space<vmem>>, vector<16xf32>,
        %mul3A_716 = arith.mulf %get3A_715, %unpack3A_629 : vector<16xf32>
        %add3A_717 = arith.addf %add3A_710, %mul3A_716 : vector<16xf32>
        %mul3A_718 = arith.mulf %get3A_715, %unpack3A_630 : vector<16xf32>
        %add3A_719 = arith.addf %add3A_712, %mul3A_718 : vector<16xf32>
        %get3A_720 = arith.index_cast %add3A_698 : i32 to index
        %get3A_721 = arith.constant 48 : index
        %get3A_722 = tpu.vector_load %arg11[%get3A_720, %get3A_721] {strides = array<i32>} : memref<800x64xf32, #tpu.memory_space<vmem>>, vector<16xf32>,
        %mul3A_723 = arith.mulf %get3A_722, %unpack3A_635 : vector<16xf32>
        %add3A_724 = arith.addf %add3A_717, %mul3A_723 : vector<16xf32>
        %mul3A_725 = arith.mulf %get3A_722, %unpack3A_636 : vector<16xf32>
        %add3A_726 = arith.addf %add3A_719, %mul3A_725 : vector<16xf32>
        %add3A_727 = arith.constant 600 : i32
        %add3A_728 = arith.addi %add3A_727, %scan3A_601 : i32
        %get3A_729 = arith.index_cast %add3A_728 : i32 to index
        %get3A_730 = arith.constant 0 : index
        %get3A_731 = tpu.vector_load %arg11[%get3A_729, %get3A_730] {strides = array<i32>} : memref<800x64xf32, #tpu.memory_space<vmem>>, vector<16xf32>,
        %mul3A_732 = arith.mulf %get3A_731, %unpack3A : vector<16xf32>
        %add3A_733 = arith.addf %scan3A_608, %mul3A_732 : vector<16xf32>
        %mul3A_734 = arith.mulf %get3A_731, %unpack3A_618 : vector<16xf32>
        %add3A_735 = arith.addf %scan3A_609, %mul3A_734 : vector<16xf32>
        %get3A_736 = arith.index_cast %add3A_728 : i32 to index
        %get3A_737 = arith.constant 16 : index
        %get3A_738 = tpu.vector_load %arg11[%get3A_736, %get3A_737] {strides = array<i32>} : memref<800x64xf32, #tpu.memory_space<vmem>>, vector<16xf32>,
        %mul3A_739 = arith.mulf %get3A_738, %unpack3A_623 : vector<16xf32>
        %add3A_740 = arith.addf %add3A_733, %mul3A_739 : vector<16xf32>
        %mul3A_741 = arith.mulf %get3A_738, %unpack3A_624 : vector<16xf32>
        %add3A_742 = arith.addf %add3A_735, %mul3A_741 : vector<16xf32>
        %get3A_743 = arith.index_cast %add3A_728 : i32 to index
        %get3A_744 = arith.constant 32 : index
        %get3A_745 = tpu.vector_load %arg11[%get3A_743, %get3A_744] {strides = array<i32>} : memref<800x64xf32, #tpu.memory_space<vmem>>, vector<16xf32>,
        %mul3A_746 = arith.mulf %get3A_745, %unpack3A_629 : vector<16xf32>
        %add3A_747 = arith.addf %add3A_740, %mul3A_746 : vector<16xf32>
        %mul3A_748 = arith.mulf %get3A_745, %unpack3A_630 : vector<16xf32>
        %add3A_749 = arith.addf %add3A_742, %mul3A_748 : vector<16xf32>
        %get3A_750 = arith.index_cast %add3A_728 : i32 to index
        %get3A_751 = arith.constant 48 : index
        %get3A_752 = tpu.vector_load %arg11[%get3A_750, %get3A_751] {strides = array<i32>} : memref<800x64xf32, #tpu.memory_space<vmem>>, vector<16xf32>,
        %mul3A_753 = arith.mulf %get3A_752, %unpack3A_635 : vector<16xf32>
        %add3A_754 = arith.addf %add3A_747, %mul3A_753 : vector<16xf32>
        %mul3A_755 = arith.mulf %get3A_752, %unpack3A_636 : vector<16xf32>
        %add3A_756 = arith.addf %add3A_749, %mul3A_755 : vector<16xf32>
        scf.yield %add3A_664, %add3A_666, %add3A_694, %add3A_696, %add3A_724, %add3A_726, %add3A_754, %add3A_756 : vector<16xf32>, vector<16xf32>, vector<16xf32>, vector<16xf32>, vector<16xf32>, vector<16xf32>, vector<16xf32>, vector<16xf32>
      }
      %scan3A_536 = arith.constant 200 : i32
      %iota3A_537 = tpu.iota {dimensions = array<i32: 0>} : vector<16xi32>
      %eq3A_538 = arith.constant 0 : i32
      %eq3A_539 = vector.broadcast %eq3A_538 : i32 to vector<16xi32>
      %eq3A_540 = arith.cmpi eq, %iota3A_537, %eq3A_539 : vector<16xi32>
      %mul3A_541 = arith.constant 4 : i32
      %mul3A_542 = arith.muli %add3A_528, %mul3A_541 : i32
      %add3A_543 = arith.constant 0 : i32
      %add3A_544 = arith.addi %mul3A_542, %add3A_543 : i32
      %broadcast_in_dim3A_545 = vector.broadcast %add3A_544 : i32 to vector<16xi32>
      %reduce_sum3A_546 = arith.constant true
      %reduce_sum3A_547 = vector.broadcast %reduce_sum3A_546 : i1 to vector<16xi1>
      %reduce_sum3A_548 = tpu.scan <sum>, %scan3A_535#0 masked %reduce_sum3A_547 : vector<16xf32>, vector<16xi1> -> vector<16xf32>
      %reduce_sum3A_549 = vector.extract %reduce_sum3A_548[15] : f32 from vector<16xf32>
      %broadcast_in_dim3A_550 = vector.broadcast %reduce_sum3A_549 : f32 to vector<16xf32>
      %reduce_sum3A_551 = arith.constant true
      %reduce_sum3A_552 = vector.broadcast %reduce_sum3A_551 : i1 to vector<16xi1>
      %reduce_sum3A_553 = tpu.scan <sum>, %scan3A_535#1 masked %reduce_sum3A_552 : vector<16xf32>, vector<16xi1> -> vector<16xf32>
      %reduce_sum3A_554 = vector.extract %reduce_sum3A_553[15] : f32 from vector<16xf32>
      %broadcast_in_dim3A_555 = vector.broadcast %reduce_sum3A_554 : f32 to vector<16xf32>
      tpu.vector_store_idx %arg12[%broadcast_in_dim3A_545], %broadcast_in_dim3A_550 masked %eq3A_540 : memref<32xf32, #tpu.memory_space<vmem>>[vector<16xi32>], vector<16xf32>, vector<16xi1>
      tpu.vector_store_idx %arg13[%broadcast_in_dim3A_545], %broadcast_in_dim3A_555 masked %eq3A_540 : memref<32xf32, #tpu.memory_space<vmem>>[vector<16xi32>], vector<16xf32>, vector<16xi1>
      %mul3A_556 = arith.constant 4 : i32
      %mul3A_557 = arith.muli %add3A_528, %mul3A_556 : i32
      %add3A_558 = arith.constant 1 : i32
      %add3A_559 = arith.addi %mul3A_557, %add3A_558 : i32
      %broadcast_in_dim3A_560 = vector.broadcast %add3A_559 : i32 to vector<16xi32>
      %reduce_sum3A_561 = arith.constant true
      %reduce_sum3A_562 = vector.broadcast %reduce_sum3A_561 : i1 to vector<16xi1>
      %reduce_sum3A_563 = tpu.scan <sum>, %scan3A_535#2 masked %reduce_sum3A_562 : vector<16xf32>, vector<16xi1> -> vector<16xf32>
      %reduce_sum3A_564 = vector.extract %reduce_sum3A_563[15] : f32 from vector<16xf32>
      %broadcast_in_dim3A_565 = vector.broadcast %reduce_sum3A_564 : f32 to vector<16xf32>
      %reduce_sum3A_566 = arith.constant true
      %reduce_sum3A_567 = vector.broadcast %reduce_sum3A_566 : i1 to vector<16xi1>
      %reduce_sum3A_568 = tpu.scan <sum>, %scan3A_535#3 masked %reduce_sum3A_567 : vector<16xf32>, vector<16xi1> -> vector<16xf32>
      %reduce_sum3A_569 = vector.extract %reduce_sum3A_568[15] : f32 from vector<16xf32>
      %broadcast_in_dim3A_570 = vector.broadcast %reduce_sum3A_569 : f32 to vector<16xf32>
      tpu.vector_store_idx %arg12[%broadcast_in_dim3A_560], %broadcast_in_dim3A_565 masked %eq3A_540 : memref<32xf32, #tpu.memory_space<vmem>>[vector<16xi32>], vector<16xf32>, vector<16xi1>
      tpu.vector_store_idx %arg13[%broadcast_in_dim3A_560], %broadcast_in_dim3A_570 masked %eq3A_540 : memref<32xf32, #tpu.memory_space<vmem>>[vector<16xi32>], vector<16xf32>, vector<16xi1>
      %mul3A_571 = arith.constant 4 : i32
      %mul3A_572 = arith.muli %add3A_528, %mul3A_571 : i32
      %add3A_573 = arith.constant 2 : i32
      %add3A_574 = arith.addi %mul3A_572, %add3A_573 : i32
      %broadcast_in_dim3A_575 = vector.broadcast %add3A_574 : i32 to vector<16xi32>
      %reduce_sum3A_576 = arith.constant true
      %reduce_sum3A_577 = vector.broadcast %reduce_sum3A_576 : i1 to vector<16xi1>
      %reduce_sum3A_578 = tpu.scan <sum>, %scan3A_535#4 masked %reduce_sum3A_577 : vector<16xf32>, vector<16xi1> -> vector<16xf32>
      %reduce_sum3A_579 = vector.extract %reduce_sum3A_578[15] : f32 from vector<16xf32>
      %broadcast_in_dim3A_580 = vector.broadcast %reduce_sum3A_579 : f32 to vector<16xf32>
      %reduce_sum3A_581 = arith.constant true
      %reduce_sum3A_582 = vector.broadcast %reduce_sum3A_581 : i1 to vector<16xi1>
      %reduce_sum3A_583 = tpu.scan <sum>, %scan3A_535#5 masked %reduce_sum3A_582 : vector<16xf32>, vector<16xi1> -> vector<16xf32>
      %reduce_sum3A_584 = vector.extract %reduce_sum3A_583[15] : f32 from vector<16xf32>
      %broadcast_in_dim3A_585 = vector.broadcast %reduce_sum3A_584 : f32 to vector<16xf32>
      tpu.vector_store_idx %arg12[%broadcast_in_dim3A_575], %broadcast_in_dim3A_580 masked %eq3A_540 : memref<32xf32, #tpu.memory_space<vmem>>[vector<16xi32>], vector<16xf32>, vector<16xi1>
      tpu.vector_store_idx %arg13[%broadcast_in_dim3A_575], %broadcast_in_dim3A_585 masked %eq3A_540 : memref<32xf32, #tpu.memory_space<vmem>>[vector<16xi32>], vector<16xf32>, vector<16xi1>
      %mul3A_586 = arith.constant 4 : i32
      %mul3A_587 = arith.muli %add3A_528, %mul3A_586 : i32
      %add3A_588 = arith.constant 3 : i32
      %add3A_589 = arith.addi %mul3A_587, %add3A_588 : i32
      %broadcast_in_dim3A_590 = vector.broadcast %add3A_589 : i32 to vector<16xi32>
      %reduce_sum3A_591 = arith.constant true
      %reduce_sum3A_592 = vector.broadcast %reduce_sum3A_591 : i1 to vector<16xi1>
      %reduce_sum3A_593 = tpu.scan <sum>, %scan3A_535#6 masked %reduce_sum3A_592 : vector<16xf32>, vector<16xi1> -> vector<16xf32>
      %reduce_sum3A_594 = vector.extract %reduce_sum3A_593[15] : f32 from vector<16xf32>
      %broadcast_in_dim3A_595 = vector.broadcast %reduce_sum3A_594 : f32 to vector<16xf32>
      %reduce_sum3A_596 = arith.constant true
      %reduce_sum3A_597 = vector.broadcast %reduce_sum3A_596 : i1 to vector<16xi1>
      %reduce_sum3A_598 = tpu.scan <sum>, %scan3A_535#7 masked %reduce_sum3A_597 : vector<16xf32>, vector<16xi1> -> vector<16xf32>
      %reduce_sum3A_599 = vector.extract %reduce_sum3A_598[15] : f32 from vector<16xf32>
      %broadcast_in_dim3A_600 = vector.broadcast %reduce_sum3A_599 : f32 to vector<16xf32>
      tpu.vector_store_idx %arg12[%broadcast_in_dim3A_590], %broadcast_in_dim3A_595 masked %eq3A_540 : memref<32xf32, #tpu.memory_space<vmem>>[vector<16xi32>], vector<16xf32>, vector<16xi1>
      tpu.vector_store_idx %arg13[%broadcast_in_dim3A_590], %broadcast_in_dim3A_600 masked %eq3A_540 : memref<32xf32, #tpu.memory_space<vmem>>[vector<16xi32>], vector<16xf32>, vector<16xi1>
    }
    %scan3A_85 = arith.constant 4 : i32
    %get3A = arith.constant 0 : index
    %get3A_86 = tpu.vector_load %arg12[%get3A] {strides = array<i32>} : memref<32xf32, #tpu.memory_space<vmem>>, vector<16xf32>,
    %get3A_87 = arith.constant 0 : index
    %get3A_88 = tpu.vector_load %arg9[%get3A_87] {strides = array<i32>} : memref<32xf32, #tpu.memory_space<vmem>>, vector<16xf32>,
    %add3A_89 = arith.addf %get3A_86, %get3A_88 : vector<16xf32>
    %get3A_90 = arith.constant 0 : index
    %get3A_91 = tpu.vector_load %arg13[%get3A_90] {strides = array<i32>} : memref<32xf32, #tpu.memory_space<vmem>>, vector<16xf32>,
    %get3A_92 = arith.constant 16 : index
    %get3A_93 = tpu.vector_load %arg9[%get3A_92] {strides = array<i32>} : memref<32xf32, #tpu.memory_space<vmem>>, vector<16xf32>,
    %add3A_94 = arith.addf %get3A_91, %get3A_93 : vector<16xf32>
    %max3A = arith.maximumf %add3A_89, %add3A_94 : vector<16xf32>
    %sub3A = arith.subf %add3A_89, %add3A_94 : vector<16xf32>
    %abs3A = math.absf %sub3A : vector<16xf32>
    %neg3A = arith.constant 0.000000e+00 : f32
    %neg3A_95 = vector.broadcast %neg3A : f32 to vector<16xf32>
    %neg3A_96 = arith.subf %neg3A_95, %abs3A : vector<16xf32>
    %exp3A = math.exp %neg3A_96 : vector<16xf32>
    %add3A_97 = arith.constant 2.000000e+00 : f32
    %add3A_98 = vector.broadcast %add3A_97 : f32 to vector<16xf32>
    %add3A_99 = arith.addf %add3A_98, %exp3A : vector<16xf32>
    %div3A = arith.divf %exp3A, %add3A_99 : vector<16xf32>
    %mul3A_100 = arith.mulf %div3A, %div3A : vector<16xf32>
    %mul3A_101 = arith.constant 2.000000e+00 : f32
    %mul3A_102 = vector.broadcast %mul3A_101 : f32 to vector<16xf32>
    %mul3A_103 = arith.mulf %mul3A_102, %div3A : vector<16xf32>
    %mul3A_104 = arith.constant 0.142857149 : f32
    %mul3A_105 = vector.broadcast %mul3A_104 : f32 to vector<16xf32>
    %mul3A_106 = arith.mulf %mul3A_100, %mul3A_105 : vector<16xf32>
    %add3A_107 = arith.constant 2.000000e-01 : f32
    %add3A_108 = vector.broadcast %add3A_107 : f32 to vector<16xf32>
    %add3A_109 = arith.addf %add3A_108, %mul3A_106 : vector<16xf32>
    %mul3A_110 = arith.mulf %mul3A_100, %add3A_109 : vector<16xf32>
    %add3A_111 = arith.constant 0.333333343 : f32
    %add3A_112 = vector.broadcast %add3A_111 : f32 to vector<16xf32>
    %add3A_113 = arith.addf %add3A_112, %mul3A_110 : vector<16xf32>
    %mul3A_114 = arith.mulf %mul3A_100, %add3A_113 : vector<16xf32>
    %add3A_115 = arith.constant 1.000000e+00 : f32
    %add3A_116 = vector.broadcast %add3A_115 : f32 to vector<16xf32>
    %add3A_117 = arith.addf %add3A_116, %mul3A_114 : vector<16xf32>
    %mul3A_118 = arith.mulf %mul3A_103, %add3A_117 : vector<16xf32>
    %add3A_119 = arith.addf %max3A, %mul3A_118 : vector<16xf32>
    %sub3A_120 = arith.subf %add3A_89, %add3A_119 : vector<16xf32>
    %swap3A = arith.constant 0 : i32
    %swap3A_121 = arith.index_cast %swap3A : i32 to index
    %swap3A_122 = arith.constant 0 : index
    %swap3A_123 = tpu.vector_load %arg14[%swap3A_121, %swap3A_122] {strides = array<i32>} : memref<2x32xf32, #tpu.memory_space<vmem>>, vector<16xf32>,
    tpu.vector_store %arg14[%swap3A_121, %swap3A_122], %sub3A_120 {strides = array<i32>} : memref<2x32xf32, #tpu.memory_space<vmem>>, vector<16xf32>,
    %sub3A_124 = arith.subf %add3A_94, %add3A_119 : vector<16xf32>
    %swap3A_125 = arith.constant 1 : i32
    %swap3A_126 = arith.index_cast %swap3A_125 : i32 to index
    %swap3A_127 = arith.constant 0 : index
    %swap3A_128 = tpu.vector_load %arg14[%swap3A_126, %swap3A_127] {strides = array<i32>} : memref<2x32xf32, #tpu.memory_space<vmem>>, vector<16xf32>,
    tpu.vector_store %arg14[%swap3A_126, %swap3A_127], %sub3A_124 {strides = array<i32>} : memref<2x32xf32, #tpu.memory_space<vmem>>, vector<16xf32>,
    %get3A_129 = arith.constant 16 : index
    %get3A_130 = tpu.vector_load %arg12[%get3A_129] {strides = array<i32>} : memref<32xf32, #tpu.memory_space<vmem>>, vector<16xf32>,
    %get3A_131 = arith.constant 0 : index
    %get3A_132 = tpu.vector_load %arg9[%get3A_131] {strides = array<i32>} : memref<32xf32, #tpu.memory_space<vmem>>, vector<16xf32>,
    %add3A_133 = arith.addf %get3A_130, %get3A_132 : vector<16xf32>
    %get3A_134 = arith.constant 16 : index
    %get3A_135 = tpu.vector_load %arg13[%get3A_134] {strides = array<i32>} : memref<32xf32, #tpu.memory_space<vmem>>, vector<16xf32>,
    %get3A_136 = arith.constant 16 : index
    %get3A_137 = tpu.vector_load %arg9[%get3A_136] {strides = array<i32>} : memref<32xf32, #tpu.memory_space<vmem>>, vector<16xf32>,
    %add3A_138 = arith.addf %get3A_135, %get3A_137 : vector<16xf32>
    %max3A_139 = arith.maximumf %add3A_133, %add3A_138 : vector<16xf32>
    %sub3A_140 = arith.subf %add3A_133, %add3A_138 : vector<16xf32>
    %abs3A_141 = math.absf %sub3A_140 : vector<16xf32>
    %neg3A_142 = arith.constant 0.000000e+00 : f32
    %neg3A_143 = vector.broadcast %neg3A_142 : f32 to vector<16xf32>
    %neg3A_144 = arith.subf %neg3A_143, %abs3A_141 : vector<16xf32>
    %exp3A_145 = math.exp %neg3A_144 : vector<16xf32>
    %add3A_146 = arith.constant 2.000000e+00 : f32
    %add3A_147 = vector.broadcast %add3A_146 : f32 to vector<16xf32>
    %add3A_148 = arith.addf %add3A_147, %exp3A_145 : vector<16xf32>
    %div3A_149 = arith.divf %exp3A_145, %add3A_148 : vector<16xf32>
    %mul3A_150 = arith.mulf %div3A_149, %div3A_149 : vector<16xf32>
    %mul3A_151 = arith.constant 2.000000e+00 : f32
    %mul3A_152 = vector.broadcast %mul3A_151 : f32 to vector<16xf32>
    %mul3A_153 = arith.mulf %mul3A_152, %div3A_149 : vector<16xf32>
    %mul3A_154 = arith.constant 0.142857149 : f32
    %mul3A_155 = vector.broadcast %mul3A_154 : f32 to vector<16xf32>
    %mul3A_156 = arith.mulf %mul3A_150, %mul3A_155 : vector<16xf32>
    %add3A_157 = arith.constant 2.000000e-01 : f32
    %add3A_158 = vector.broadcast %add3A_157 : f32 to vector<16xf32>
    %add3A_159 = arith.addf %add3A_158, %mul3A_156 : vector<16xf32>
    %mul3A_160 = arith.mulf %mul3A_150, %add3A_159 : vector<16xf32>
    %add3A_161 = arith.constant 0.333333343 : f32
    %add3A_162 = vector.broadcast %add3A_161 : f32 to vector<16xf32>
    %add3A_163 = arith.addf %add3A_162, %mul3A_160 : vector<16xf32>
    %mul3A_164 = arith.mulf %mul3A_150, %add3A_163 : vector<16xf32>
    %add3A_165 = arith.constant 1.000000e+00 : f32
    %add3A_166 = vector.broadcast %add3A_165 : f32 to vector<16xf32>
    %add3A_167 = arith.addf %add3A_166, %mul3A_164 : vector<16xf32>
    %mul3A_168 = arith.mulf %mul3A_153, %add3A_167 : vector<16xf32>
    %add3A_169 = arith.addf %max3A_139, %mul3A_168 : vector<16xf32>
    %sub3A_170 = arith.subf %add3A_133, %add3A_169 : vector<16xf32>
    %swap3A_171 = arith.constant 0 : i32
    %swap3A_172 = arith.index_cast %swap3A_171 : i32 to index
    %swap3A_173 = arith.constant 16 : index
    %swap3A_174 = tpu.vector_load %arg14[%swap3A_172, %swap3A_173] {strides = array<i32>} : memref<2x32xf32, #tpu.memory_space<vmem>>, vector<16xf32>,
    tpu.vector_store %arg14[%swap3A_172, %swap3A_173], %sub3A_170 {strides = array<i32>} : memref<2x32xf32, #tpu.memory_space<vmem>>, vector<16xf32>,
    %sub3A_175 = arith.subf %add3A_138, %add3A_169 : vector<16xf32>
    %swap3A_176 = arith.constant 1 : i32
    %swap3A_177 = arith.index_cast %swap3A_176 : i32 to index
    %swap3A_178 = arith.constant 16 : index
    %swap3A_179 = tpu.vector_load %arg14[%swap3A_177, %swap3A_178] {strides = array<i32>} : memref<2x32xf32, #tpu.memory_space<vmem>>, vector<16xf32>,
    tpu.vector_store %arg14[%swap3A_177, %swap3A_178], %sub3A_175 {strides = array<i32>} : memref<2x32xf32, #tpu.memory_space<vmem>>, vector<16xf32>,
    %mul3A_180 = arith.constant 32 : i32
    %mul3A_181 = arith.muli %add3A, %mul3A_180 : i32
    %run_scoped3A = arith.constant 0 : i32
    "tpu.region"() ({
      %run_scoped3A_185 = tpu.sem_alloc : memref<!tpu.dma_semaphore, #tpu.memory_space<semaphore_mem>>
      %dma_start3A_186 = arith.constant 0 : i32
      %dma_start3A_187 = tpu.memref_slice %arg14[%run_scoped3A, %dma_start3A_186] : memref<2x32xf32, #tpu.memory_space<vmem>> -> memref<1x32xf32, #tpu.memory_space<vmem>>
      %dma_start3A_188 = tpu.memref_squeeze %dma_start3A_187 : memref<1x32xf32, #tpu.memory_space<vmem>> -> memref<32xf32, #tpu.memory_space<vmem>>
      %dma_start3A_189 = tpu.memref_slice %arg6[%mul3A_181] : memref<2048xf32, #tpu.memory_space<hbm>> -> memref<32xf32, #tpu.memory_space<hbm>>
      %dma_start3A_190 = tpu.memref_slice %arg6[%mul3A_181] : memref<2048xf32, #tpu.memory_space<hbm>> -> memref<32xf32, #tpu.memory_space<hbm>>
      %dma_start3A_191 = arith.constant 0 : i32
      %dma_start3A_192 = tpu.memref_slice %arg14[%run_scoped3A, %dma_start3A_191] : memref<2x32xf32, #tpu.memory_space<vmem>> -> memref<1x32xf32, #tpu.memory_space<vmem>>
      %dma_start3A_193 = tpu.memref_squeeze %dma_start3A_192 : memref<1x32xf32, #tpu.memory_space<vmem>> -> memref<32xf32, #tpu.memory_space<vmem>>
      tpu.enqueue_dma source(%dma_start3A_193 : memref<32xf32, #tpu.memory_space<vmem>>) target(%dma_start3A_190 : memref<32xf32, #tpu.memory_space<hbm>>) target_semaphore(%run_scoped3A_185 : memref<!tpu.dma_semaphore, #tpu.memory_space<semaphore_mem>>)
      %dma_wait3A = arith.constant 0 : i32
      %dma_wait3A_194 = tpu.memref_slice %arg14[%run_scoped3A, %dma_wait3A] : memref<2x32xf32, #tpu.memory_space<vmem>> -> memref<1x32xf32, #tpu.memory_space<vmem>>
      %dma_wait3A_195 = tpu.memref_squeeze %dma_wait3A_194 : memref<1x32xf32, #tpu.memory_space<vmem>> -> memref<32xf32, #tpu.memory_space<vmem>>
      %dma_wait3A_196 = tpu.memref_slice %arg6[%mul3A_181] : memref<2048xf32, #tpu.memory_space<hbm>> -> memref<32xf32, #tpu.memory_space<hbm>>
      %dma_wait3A_197 = tpu.memref_slice %arg6[%mul3A_181] : memref<2048xf32, #tpu.memory_space<hbm>> -> memref<32xf32, #tpu.memory_space<hbm>>
      %dma_wait3A_198 = arith.constant 0 : i32
      %dma_wait3A_199 = tpu.memref_slice %arg14[%run_scoped3A, %dma_wait3A_198] : memref<2x32xf32, #tpu.memory_space<vmem>> -> memref<1x32xf32, #tpu.memory_space<vmem>>
      %dma_wait3A_200 = tpu.memref_squeeze %dma_wait3A_199 : memref<1x32xf32, #tpu.memory_space<vmem>> -> memref<32xf32, #tpu.memory_space<vmem>>
      tpu.wait_dma2 semaphore(%run_scoped3A_185 : memref<!tpu.dma_semaphore, #tpu.memory_space<semaphore_mem>>) src(%dma_wait3A_200 : memref<32xf32, #tpu.memory_space<vmem>>) dst(%dma_wait3A_197 : memref<32xf32, #tpu.memory_space<hbm>>)
      tpu.yield
    }) : () -> ()
    %add3A_182 = arith.constant 1024 : i32
    %add3A_183 = arith.addi %add3A_182, %mul3A_181 : i32
    %run_scoped3A_184 = arith.constant 1 : i32
    "tpu.region"() ({
      %run_scoped3A_185 = tpu.sem_alloc : memref<!tpu.dma_semaphore, #tpu.memory_space<semaphore_mem>>
      %dma_start3A_186 = arith.constant 0 : i32
      %dma_start3A_187 = tpu.memref_slice %arg14[%run_scoped3A_184, %dma_start3A_186] : memref<2x32xf32, #tpu.memory_space<vmem>> -> memref<1x32xf32, #tpu.memory_space<vmem>>
      %dma_start3A_188 = tpu.memref_squeeze %dma_start3A_187 : memref<1x32xf32, #tpu.memory_space<vmem>> -> memref<32xf32, #tpu.memory_space<vmem>>
      %dma_start3A_189 = tpu.memref_slice %arg6[%add3A_183] : memref<2048xf32, #tpu.memory_space<hbm>> -> memref<32xf32, #tpu.memory_space<hbm>>
      %dma_start3A_190 = tpu.memref_slice %arg6[%add3A_183] : memref<2048xf32, #tpu.memory_space<hbm>> -> memref<32xf32, #tpu.memory_space<hbm>>
      %dma_start3A_191 = arith.constant 0 : i32
      %dma_start3A_192 = tpu.memref_slice %arg14[%run_scoped3A_184, %dma_start3A_191] : memref<2x32xf32, #tpu.memory_space<vmem>> -> memref<1x32xf32, #tpu.memory_space<vmem>>
      %dma_start3A_193 = tpu.memref_squeeze %dma_start3A_192 : memref<1x32xf32, #tpu.memory_space<vmem>> -> memref<32xf32, #tpu.memory_space<vmem>>
      tpu.enqueue_dma source(%dma_start3A_193 : memref<32xf32, #tpu.memory_space<vmem>>) target(%dma_start3A_190 : memref<32xf32, #tpu.memory_space<hbm>>) target_semaphore(%run_scoped3A_185 : memref<!tpu.dma_semaphore, #tpu.memory_space<semaphore_mem>>)
      %dma_wait3A = arith.constant 0 : i32
      %dma_wait3A_194 = tpu.memref_slice %arg14[%run_scoped3A_184, %dma_wait3A] : memref<2x32xf32, #tpu.memory_space<vmem>> -> memref<1x32xf32, #tpu.memory_space<vmem>>
      %dma_wait3A_195 = tpu.memref_squeeze %dma_wait3A_194 : memref<1x32xf32, #tpu.memory_space<vmem>> -> memref<32xf32, #tpu.memory_space<vmem>>
      %dma_wait3A_196 = tpu.memref_slice %arg6[%add3A_183] : memref<2048xf32, #tpu.memory_space<hbm>> -> memref<32xf32, #tpu.memory_space<hbm>>
      %dma_wait3A_197 = tpu.memref_slice %arg6[%add3A_183] : memref<2048xf32, #tpu.memory_space<hbm>> -> memref<32xf32, #tpu.memory_space<hbm>>
      %dma_wait3A_198 = arith.constant 0 : i32
      %dma_wait3A_199 = tpu.memref_slice %arg14[%run_scoped3A_184, %dma_wait3A_198] : memref<2x32xf32, #tpu.memory_space<vmem>> -> memref<1x32xf32, #tpu.memory_space<vmem>>
      %dma_wait3A_200 = tpu.memref_squeeze %dma_wait3A_199 : memref<1x32xf32, #tpu.memory_space<vmem>> -> memref<32xf32, #tpu.memory_space<vmem>>
      tpu.wait_dma2 semaphore(%run_scoped3A_185 : memref<!tpu.dma_semaphore, #tpu.memory_space<semaphore_mem>>) src(%dma_wait3A_200 : memref<32xf32, #tpu.memory_space<vmem>>) dst(%dma_wait3A_197 : memref<32xf32, #tpu.memory_space<hbm>>)
      tpu.yield
    }) : () -> ()
    return
  }
}

</mosaic_0001>

<sc_bundles>
// kernel: kernel.3.cloned.1.call-start
scs
__scs_entry_jumppad:
0x0: {  	(pc) =	sbr.rel $0x88, $3  }
0x1: {  	(tag) =	ssettag $0x0;
	lr =	simm.s32 $0x1  }
0x2: {  	[smem:$0x3F9D] =	sst lr;
	_ =	strace $0xD0000000  }
0x3: {  	_ = 	snop  }
0x4: {  	_ = 	snop  }
0x5: {  	_ = 	snop  }
0x6: {  	_ = 	snop  }
0x7: {  	_ = 	snop  }
__scs_overlays_trampoline_lowered:
0x8: {  	[smem:$0x3FAC] =	sst s0  }
0x9: {  	[smem:$0x3FAD] =	sst s1  }
0xa: {  	[smem:$0x3FAE] =	sst s2  }
0xb: {  	[smem:$0x3FAF] =	sst s3  }
0xc: {  	[smem:$0x3FB0] =	sst s4  }
0xd: {  	[smem:$0x3FB1] =	sst s5  }
0xe: {  	[smem:$0x3FB2] =	sst s6  }
0xf: {  	[smem:$0x3FB3] =	sst s7  }
0x10: {  	[smem:$0x3FB4] =	sst s8  }
0x11: {  	[smem:$0x3FB5] =	sst s9;
	s0 =	simm.s32 @!p0 $0x0  }
0x12: {  	s1 =	sld [smem:$0x3F9B];
	s0 =	simm.s32 @p0 $0x1  }
0x13: {  	[smem:$0x3FB6] =	sst s0;
	s0 =	simm.s32 @!p1 $0x0  }
0x14: {  	s2 =	sld [smem:$0x3F9A];
	s0 =	simm.s32 @p1 $0x1  }
0x15: {  	[smem:$0x3FB7] =	sst s0;
	s0 =	simm.s32 @!p2 $0x0  }
0x16: {  	s3 =	sld [smem:$0x3FDB];
	s0 =	simm.s32 @p2 $0x1  }
0x17: {  	s4 =	simm.s32 $0x1BF5;
	[smem:$0x3FB9] =	sst s0  }
0x18: {  	s0 =	sld [smem:$0x3F9C];
	_ =	swait.ge [sflag:s4], $0x0  }
0x19: {  	s7 =	sld [smem:$0x3F9D]  }
0x1a: {  	s8 =	sadd.s32 $0xFFFFE003, lr  }
0x1b: {  	s9 =	sadd.s32 $0xFFFFFEF7, lr;
	s5 =	simm.s32 $0xFFFFFFFF;
	p2 =	slt.u32 s8, $0xFFFFF086  }
0x1c: {  	p1 =	slt.u32 s9, $0xF7A;
	s5 =	simm.s32 @!p2 $0x0  }
0x1d: {  	s5 =	simm.s32 @p1 $0x1;
	p0 =	seq.s32 s7, s2  }
0x1e: {  	s7 =	smul.u32 @!p0 $0xF7A, s2;
	p2 =	seq.s32 @!p0 s5, $0x0  }
0x1f: {  	s9 =	smul.u32 $0xF7A, s1;
	s8 =	simm.s32 @!p0 $0x1BF5;
	p2 =	por !p2, p0  }
0x20: {  	[sflag:s8] =	ssyncset.s32 @!p0 $0xFFFFF086;
	s6 =	sadd.s32 @!p0 s3, s7;
	s7 =	simm.s32 @!p0 $0x108  }
0x21: {  	s3 =	sadd.s32 s3, s9;
	s6 =	sadd.s32 @!p0 $0x88, s6;
	s7 =	simm.s32 @p2 $0x1082  }
0x22: {  	[simem:s7], [sflag:s8] =	dma.local @!p0 [hbm:s6], $0xF7A  }
0x23: {  	s9 =	sor.u32 $0xD0000000, s2;
	s6 =	simm.s32 $0x108;
	_ =	swait.ge @!p0 [sflag:s8], $0x0  }
0x24: {  	s3 =	sadd.s32 $0x88, s3;
	s6 =	simm.s32 @!p1 $0x1082;
	[sflag:s4] =	ssyncset.s32 $0xFFFFF086  }
0x25: {  	[simem:s6], [sflag:s4] =	dma.local [hbm:s3], $0xF7A  }
0x26: {  	[smem:$0x3F9D] =	sst s1;
	(tag) =	ssettag s2;
	_ =	strace s9  }
0x27: {  	s1 =	sld [smem:$0x3FAD]  }
0x28: {  	s2 =	sld [smem:$0x3FAE]  }
0x29: {  	s4 =	sld [smem:$0x3FB0]  }
0x2a: {  	p0 =	seq.s32 s5, $0x0;
	s5 =	sld [smem:$0x3FB1]  }
0x2b: {  	s6 =	sld [smem:$0x3FB2]  }
0x2c: {  	s7 =	sld [smem:$0x3FB3]  }
0x2d: {  	s3 =	simm.s32 $0x108;
	s8 =	sld [smem:$0x3FB4]  }
0x2e: {  	s3 =	simm.s32 @!p0 $0x1082;
	s9 =	sld [smem:$0x3FB5]  }
0x2f: {  	lr =	sadd.s32 s0, s3;
	s0 =	sld [smem:$0x3FAC]  }
0x30: {  	s3 =	sld [smem:$0x3FAF]  }
0x31: {  	[smem:$0x3FB8] =	sst s10  }
0x32: {  	s10 =	sld [smem:$0x3FB6];
	_ =	sdelay $0x3  }
0x33: {  	p0 =	seq.s32 s10, $0x1;
	s10 =	sld [smem:$0x3FB8];
	_ =	sdelay $0x3  }
0x34: {  	[smem:$0x3FB8] =	sst s10  }
0x35: {  	s10 =	sld [smem:$0x3FB7];
	_ =	sdelay $0x3  }
0x36: {  	p1 =	seq.s32 s10, $0x1;
	s10 =	sld [smem:$0x3FB8];
	_ =	sdelay $0x3  }
0x37: {  	[smem:$0x3FB8] =	sst s10  }
0x38: {  	s10 =	sld [smem:$0x3FB9]  }
0x39: {  	_ = 	snop;
	(pc) =	sbr.ind lr, $3  }
0x3a: {  	_ = 	snop  }
0x3b: {  	_ = 	snop  }
0x3c: {  	p2 =	seq.s32 s10, $0x1;
	s10 =	sld [smem:$0x3FB8]  }
0x3d: {  	_ =	shalt  }
0x3e: {  	_ =	shalt  }
0x3f: {  	_ =	shalt  }
0x40: {  	_ =	shalt  }
0x41: {  	_ =	shalt  }
0x42: {  	_ =	shalt  }
0x43: {  	_ =	shalt  }
0x44: {  	_ =	shalt  }
0x45: {  	_ =	shalt  }
0x46: {  	_ =	shalt  }
0x47: {  	_ =	shalt  }
0x48: {  	_ =	shalt  }
0x49: {  	_ =	shalt  }
0x4a: {  	_ =	shalt  }
0x4b: {  	_ =	shalt  }
0x4c: {  	_ =	shalt  }
0x4d: {  	_ =	shalt  }
0x4e: {  	_ =	shalt  }
0x4f: {  	_ =	shalt  }
0x50: {  	_ =	shalt  }
0x51: {  	_ =	shalt  }
0x52: {  	_ =	shalt  }
0x53: {  	_ =	shalt  }
0x54: {  	_ =	shalt  }
0x55: {  	_ =	shalt  }
0x56: {  	_ =	shalt  }
0x57: {  	_ =	shalt  }
0x58: {  	_ =	shalt  }
0x59: {  	_ =	shalt  }
0x5a: {  	_ =	shalt  }
0x5b: {  	_ =	shalt  }
0x5c: {  	_ =	shalt  }
0x5d: {  	_ =	shalt  }
0x5e: {  	_ =	shalt  }
0x5f: {  	_ =	shalt  }
0x60: {  	_ =	shalt  }
0x61: {  	_ =	shalt  }
0x62: {  	_ =	shalt  }
0x63: {  	_ =	shalt  }
0x64: {  	_ =	shalt  }
0x65: {  	_ =	shalt  }
0x66: {  	_ =	shalt  }
0x67: {  	_ =	shalt  }
0x68: {  	_ =	shalt  }
0x69: {  	_ =	shalt  }
0x6a: {  	_ =	shalt  }
0x6b: {  	_ =	shalt  }
0x6c: {  	_ =	shalt  }
0x6d: {  	_ =	shalt  }
0x6e: {  	_ =	shalt  }
0x6f: {  	_ =	shalt  }
0x70: {  	_ =	shalt  }
0x71: {  	_ =	shalt  }
0x72: {  	_ =	shalt  }
0x73: {  	_ =	shalt  }
0x74: {  	_ =	shalt  }
0x75: {  	_ =	shalt  }
0x76: {  	_ =	shalt  }
0x77: {  	_ =	shalt  }
0x78: {  	_ =	shalt  }
0x79: {  	_ =	shalt  }
0x7a: {  	_ =	shalt  }
0x7b: {  	_ =	shalt  }
0x7c: {  	_ =	shalt  }
0x7d: {  	_ =	shalt  }
0x7e: {  	_ =	shalt  }
0x7f: {  	_ =	shalt  }
0x80: {  	_ =	shalt  }
0x81: {  	_ =	shalt  }
0x82: {  	_ =	shalt  }
0x83: {  	_ =	shalt  }
0x84: {  	_ =	shalt  }
0x85: {  	_ =	shalt  }
0x86: {  	_ =	shalt  }
0x87: {  	_ =	shalt  }
.Lfunc_end0:
.L_simem_size_0:
called_computation_lowered:
.L_overlay_start_0:
0x88: {  	s2 =	sld [smem:$0x3FD9]  }
0x89: {  	s3 =	sld [smem:$0x3FFE];
	_ =	sdelay $0x1  }
0x8a: {  	s1 =	srdreg.scid  }
0x8b: {  	s0 =	sand.u32 $0x1, s1  }
0x8c: {  	s17 =	sshll.u32 s0, $0xA;
	s2 =	sadd.s32 s3, s2  }
0x8d: {  	s2 =	sadd.s32 s2, s17  }
0x8e: {  	[smem:$0x3FC4] =	sst s2  }
0x8f: {  	_ = 	snop  }
0x90: {  	s2 =	sld [smem:$0x3FD0];
	(tm) =	ssettm $0x1  }
0x91: {  	s18 =	sld [smem:$0x3FFB];
	_ =	sdelay $0x3  }
0x92: {  	_ =	strace s18  }
0x93: {  	s3 =	sld [smem:$0x3FFC];
	_ =	sdelay $0x3  }
0x94: {  	_ =	strace s3  }
0x95: {  	s3 =	sld [smem:$0x3FFD];
	_ =	sdelay $0x3  }
0x96: {  	_ =	strace s3  }
0x97: {  	_ =	strace $0x8FFFFFFF  }
0x98: {  	s19 =	sld [smem:$0x3FDB];
	_ =	sdelay $0x1  }
0x99: {  	s4 =	simm.s32 $_scs_section_size  }
0x9a: {  	s5 =	simm.s32 $_size__tile_overlayer_lowered;
	s6 =	simm.s32 $_tile_overlayer_lowered  }
0x9b: {  	s22 =	simm.s32 $0x1BFF;
	s21 =	sshll.u32 s6, $0x1;
	s3 =	sadd.s32 s4, s19  }
0x9c: {  	s7 =	simm.s32 $0x0;
	s20 =	sshll.u32 s5, $0x1;
	s5 =	sadd.s32 s21, s3  }
0x9d: {  	[timem:s7], [sflag:s22] =	dma.local [hbm:s5], s20  }
0x9e: {  	_ =	swait.ge [sflag:s22], s20  }
0x9f: {  	s4 =	ssub.s32 $0x0, s20;
	[sflag:s22] =	ssyncset.done $0x0  }
0xa0: {  	[sflag:s22] =	ssyncadd.s32 s4;
	_ =	sdelay $0x1  }
0xa1: {  	s23 =	simm.s32 $0x1B8B  }
0xa2: {  	_ =	swait.ge [sflag:s23], $0x1  }
0xa3: {  	[sflag:s23] =	ssyncset.done $0x0  }
0xa4: {  	s25 =	simm.s32 $0x1B8E;
	s24 =	sld [smem:$0x3FFE];
	[sflag:s23] =	ssyncadd.s32 $0xFFFFFFFF  }
0xa5: {  	s26 =	simm.s32 $execute0_lowered;
	[smem:$0x3FD2] =	sst s25  }
0xa6: {  	s5 =	sshll.u32 s26, $0x1;
	_ =	strace $0x80000046;
	[dreg:$0x1] =	wrdreg $0xFFFFFFFF  }
0xa7: {  	s28 =	simm.s32 $_size_execute0_lowered;
	s3 =	sadd.s32 s3, s5;
	[dreg:$0x0] =	wrdreg $0x0  }
0xa8: {  	s5 =	sshll.u32 s28, $0x1;
	[dreg:$0x2] =	wrdreg s3  }
0xa9: {  	[dreg:$0x3] =	wrdreg s5  }
0xaa: {  	[dreg:$0x4] =	wrdreg $0xC0  }
0xab: {  	_ =	task [dreg:s7], $0x5FFFF  }
0xac: {  	[dreg:$0x1] =	wrdreg $0xFFFFFFFF  }
0xad: {  	[dreg:$0x0] =	wrdreg $0x60  }
0xae: {  	[dreg:$0x2] =	wrdreg s24  }
0xaf: {  	[dreg:$0x3] =	wrdreg s2  }
0xb0: {  	[dreg:$0x4] =	wrdreg $0x9  }
0xb1: {  	_ =	task.clear_ibuf [dreg:s7], $0x5FFFF;
	_ =	strace $0x90000046  }
0xb2: {  	s29 =	simm.s32 $0x9;
	_ =	strace $0x80000048  }
0xb3: {  	_ =	swait.ge [sflag:s29], $0x1  }
0xb4: {  	[sflag:s29] =	ssyncadd.s32 $0xFFFFFFFF  }
0xb5: {  	_ =	strace $0x90000048  }
0xb6: {  	_ =	sfence  }
0xb7: {  	s30 =	sld [smem:$0x0];
	_ =	sdelay $0x2  }
0xb8: {  	s31 =	sshll.u32 s1, $0xD;
	s1 =	sshrl.u32 s1, $0x2  }
0xb9: {  	s3 =	sand.u32 $0x4000, s31;
	s1 =	sadd.s32 s1, s30  }
0xba: {  	s0 =	sor.u32 s3, s0;
	s1 =	sshll.u32 s1, $0x11  }
0xbb: {  	s0 =	sor.u32 s1, s0  }
0xbc: {  	s0 =	sadd.s32 $0x8F2B, s0  }
0xbd: {  	[sflag:s0] =	ssyncadd.remote.s32 $0x1  }
0xbe: {  	_ =	sfence.sel $0xFFFF  }
0xbf: {  	[dreg:$0x0] =	wrdreg $0xFFFFFFFF;
	(pc) =	sbr.abs _section_cstart, $3  }
0xc0: {  	[dreg:$0x1] =	wrdreg $0xFFFFFFFF  }
0xc1: {  	_ =	task.clear_ibuf [dreg:s7], $0x2FFFF;
	_ =	strace $0x9FFFFFFF  }
0xc2: {  	(tm) =	ssettm $0x7FFFFFFF  }
0xc3: {  	_ =	shalt  }
tec
execute0_lowered:
.L_overlay_start_1:
0x0: {  	(tag) =	ssettag $0x1  }
0x1: {  	s0 =	srdreg.scid  }
0x2: {  	s2 =	stileid.u32;
	s1 =	rddreg [dreg:$0x0];
	s12 =	simm.s32 $0x4  }
0x3: {  	s13 =	simm.s32 $0x80;
	s15 =	simm.s32 $0x48;
	s30 =	simm.s32 $0x3  }
0x4: {  	s31 =	simm.s32 $0x11320;
	s10 =	simm.s32 $0x17720;
	s11 =	simm.s32 $0x19720  }
0x5: {  	s14 =	simm.s32 $0x1A920;
	s16 =	simm.s32 $0x1C920;
	s17 =	simm.s32 $0x1  }
0x6: {  	s18 =	simm.s32 $0x1DB20;
	s19 =	simm.s32 $0x1DB40;
	s20 =	simm.s32 $0x2  }
0x7: {  	s23 =	simm.s32 $0x0;
	s0 =	sand.u32 $0x1, s0;
	s2 =	sshll.u32 s2, $0x6  }
0x8: {  	s7 =	sadd.s32 $0xA00, s1;
	s3 =	sshll.u32 s0, $0x5;
	s0 =	ssub.s32 $0x2, s0  }
0x9: {  	s2 =	sor.u32 s3, s2;
	s3 =	simm.s32 $0x0;
	s6 =	sshrl.u32 s0, $0x1  }
0xa: {  	s4 =	smul.u32 $0x19, s2;
	[smem:$0x7FF] =	sst s3;
	s2 =	sshrl.u32 s2, $0x3  }
0xb: {  	s0 =	ssub.s32 s0, s6;
	_ =	strace $0x80000047;
	[dreg:$0x3] =	wrdreg s7  }
0xc: {  	s9 =	smax.u32 s0, $0x1;
	s0 =	simm.s32 $0x14520;
	s5 =	sadd.s32 s4, s1  }
0xd: {  	s4 =	sadd.s32 $0x187400, s1;
	s1 =	sadd.s32 s2, s1;
	s28 =	sadd.s32 $0x1200, s5  }
0xe: {  	v0 =	vimm.s32 $0x0;
	vm0 =	vcmask $0x300;
	s2 =	simm.s32 $0x16520;
	s29 =	sadd.s32 $0x7600, s1;
	[dreg:$0x4] =	wrdreg s28  }
0xf: {  	v0 =	vsel vm0, $0x3, v0;
	s8 =	sadd.s32 $0x7680, s1;
	s1 =	simm.s32 $0x13320;
	[dreg:$0x5] =	wrdreg s29  }
.LBB2_1:
0x10: {  	s5 =	rddreg [dreg:$0x3];
	s6 =	simm.s32 $0x1900  }
0x11: {  	[tilespmem:s6], [sflag:$0x3] =	stream.linear.gather [hbm4b:s5+s3], $0x3200, $0x38;
	[tilespmem:$0x1DBA0] =	vst v63  }
0x12: {  	s7 =	simm.s32 $0x4B00;
	s6 =	rddreg [dreg:$0x1]  }
0x13: {  	[tilespmem:s7], [sflag:$0x3] =	stream.linear.gather [hbm4b:s6+s3], $0x20, $0x38;
	[tilespmem:$0x1DBA0] =	vst v63  }
0x14: {  	s21 =	rddreg [dreg:$0x4]  }
0x15: {  	[tilespmem:s3], [sflag:$0x4] =	stream.linear.gather [hbm4b:s21+s3], $0x1900, $0x38;
	[tilespmem:$0x1DBA0] =	vst v63  }
0x16: {  	_ =	swait.ge [sflag:s12], $0x1900  }
0x17: {  	[sflag:s12] =	ssyncset.done $0x0  }
0x18: {  	s22 =	simm.s32 $0x4B20;
	[sflag:s12] =	ssyncadd.s32 $0xFFFFE700  }
0x19: {  	[tilespmem:s22], [sflag:$0x1] =	stream.indirect.gather [hbm4b:s4+s13], $0x40, s3, s13, $0xb8;
	[tilespmem:$0x1DBA0] =	vst v63  }
0x1a: {  	s24 =	simm.s32 $0x6B20  }
0x1b: {  	[tilespmem:s24], [sflag:$0x1] =	stream.indirect.gather [hbm4b:s4+s15], $0x40, s13, s15, $0xb8;
	[tilespmem:$0x1DBA0] =	vst v63  }
0x1c: {  	s25 =	simm.s32 $0xC8;
	s26 =	simm.s32 $0x7D20  }
0x1d: {  	[tilespmem:s26], [sflag:$0x1] =	stream.indirect.gather [hbm4b:s4+s13], $0x40, s25, s13, $0xb8;
	[tilespmem:$0x1DBA0] =	vst v63  }
0x1e: {  	s28 =	simm.s32 $0x148;
	s29 =	simm.s32 $0x9D20  }
0x1f: {  	[tilespmem:s29], [sflag:$0x1] =	stream.indirect.gather [hbm4b:s4+s15], $0x40, s28, s15, $0xb8;
	[tilespmem:$0x1DBA0] =	vst v63  }
0x20: {  	s7 =	simm.s32 $0x190;
	s21 =	simm.s32 $0xAF20  }
0x21: {  	[tilespmem:s21], [sflag:$0x1] =	stream.indirect.gather [hbm4b:s4+s13], $0x40, s7, s13, $0xb8;
	[tilespmem:$0x1DBA0] =	vst v63  }
0x22: {  	s22 =	simm.s32 $0x210;
	s24 =	simm.s32 $0xCF20  }
0x23: {  	[tilespmem:s24], [sflag:$0x1] =	stream.indirect.gather [hbm4b:s4+s15], $0x40, s22, s15, $0xb8;
	[tilespmem:$0x1DBA0] =	vst v63  }
0x24: {  	s25 =	simm.s32 $0x258;
	s26 =	simm.s32 $0xE120  }
0x25: {  	[tilespmem:s26], [sflag:$0x1] =	stream.indirect.gather [hbm4b:s4+s13], $0x40, s25, s13, $0xb8;
	[tilespmem:$0x1DBA0] =	vst v63  }
0x26: {  	s28 =	simm.s32 $0x2D8;
	s29 =	simm.s32 $0x10120  }
0x27: {  	[tilespmem:s29], [sflag:$0x1] =	stream.indirect.gather [hbm4b:s4+s15], $0x40, s28, s15, $0xb8;
	[tilespmem:$0x1DBA0] =	vst v63  }
0x28: {  	_ =	swait.ge [sflag:s30], $0x3200  }
0x29: {  	[sflag:s30] =	ssyncset.done $0x0  }
0x2a: {  	[sflag:s30] =	ssyncadd.s32 $0xFFFFCE00  }
0x2b: {  	_ =	swait.ge [sflag:s30], $0x20  }
0x2c: {  	[sflag:s30] =	ssyncset.done $0x0  }
0x2d: {  	s24 =	simm.s32 $0x0;
	[sflag:s30] =	ssyncadd.s32 $0xFFFFFFE0  }
.LBB2_2:
0x2e: {  	s21 =	sshll.u32 s24, $0x3  }
0x2f: {  	s29 =	sor.u32 $0x4, s21  }
0x30: {  	s5 =	smul.u32 $0x320, s29;
	_ =	sdelay $0x1  }
0x31: {  	s28 =	sor.u32 $0x5, s21;
	s5 =	sshra.s32 s5, $0x2  }
0x32: {  	[tilespmem:s31], [sflag:$0x2] =	stream.indirect.gather [hbm4b:s4+s13], $0x40, s5, s13, $0xb8;
	[tilespmem:$0x1DBA0] =	vst v63  }
0x33: {  	s22 =	smul.u32 $0x320, s28;
	s5 =	sadd.s32 $0x80, s5  }
0x34: {  	[tilespmem:s1], [sflag:$0x2] =	stream.indirect.gather [hbm4b:s4+s15], $0x40, s5, s15, $0xb8;
	[tilespmem:$0x1DBA0] =	vst v63  }
0x35: {  	s25 =	sor.u32 $0x6, s21;
	s22 =	sshra.s32 s22, $0x2  }
0x36: {  	[tilespmem:s0], [sflag:$0x2] =	stream.indirect.gather [hbm4b:s4+s13], $0x40, s22, s13, $0xb8;
	[tilespmem:$0x1DBA0] =	vst v63  }
0x37: {  	s26 =	smul.u32 $0x320, s25;
	s5 =	sadd.s32 $0x80, s22  }
0x38: {  	[tilespmem:s2], [sflag:$0x2] =	stream.indirect.gather [hbm4b:s4+s15], $0x40, s5, s15, $0xb8;
	[tilespmem:$0x1DBA0] =	vst v63  }
0x39: {  	s6 =	sshra.s32 s26, $0x2;
	s26 =	sshllo.u32 s24, $0x3  }
0x3a: {  	[tilespmem:s10], [sflag:$0x2] =	stream.indirect.gather [hbm4b:s4+s13], $0x40, s6, s13, $0xb8;
	[tilespmem:$0x1DBA0] =	vst v63  }
0x3b: {  	s7 =	smul.u32 $0x320, s26;
	s5 =	sadd.s32 $0x80, s6  }
0x3c: {  	[tilespmem:s11], [sflag:$0x2] =	stream.indirect.gather [hbm4b:s4+s15], $0x40, s5, s15, $0xb8;
	[tilespmem:$0x1DBA0] =	vst v63  }
0x3d: {  	s22 =	sshra.s32 s7, $0x2  }
0x3e: {  	[tilespmem:s14], [sflag:$0x2] =	stream.indirect.gather [hbm4b:s4+s13], $0x40, s22, s13, $0xb8;
	[tilespmem:$0x1DBA0] =	vst v63  }
0x3f: {  	s5 =	sadd.s32 $0x80, s22  }
0x40: {  	[tilespmem:s16], [sflag:$0x2] =	stream.indirect.gather [hbm4b:s4+s15], $0x40, s5, s15, $0xb8;
	[tilespmem:$0x1DBA0] =	vst v63  }
0x41: {  	_ =	swait.ge [sflag:s17], $0x2000  }
0x42: {  	[sflag:s17] =	ssyncset.done $0x0  }
0x43: {  	[sflag:s17] =	ssyncadd.s32 $0xFFFFE000  }
0x44: {  	_ =	swait.ge [sflag:s17], $0x1200  }
0x45: {  	[sflag:s17] =	ssyncset.done $0x0  }
0x46: {  	[sflag:s17] =	ssyncadd.s32 $0xFFFFEE00  }
0x47: {  	_ =	swait.ge [sflag:s17], $0x2000  }
0x48: {  	[sflag:s17] =	ssyncset.done $0x0  }
0x49: {  	[sflag:s17] =	ssyncadd.s32 $0xFFFFE000  }
0x4a: {  	_ =	swait.ge [sflag:s17], $0x1200  }
0x4b: {  	[sflag:s17] =	ssyncset.done $0x0  }
0x4c: {  	[sflag:s17] =	ssyncadd.s32 $0xFFFFEE00  }
0x4d: {  	_ =	swait.ge [sflag:s17], $0x2000  }
0x4e: {  	[sflag:s17] =	ssyncset.done $0x0  }
0x4f: {  	[sflag:s17] =	ssyncadd.s32 $0xFFFFE000  }
0x50: {  	_ =	swait.ge [sflag:s17], $0x1200  }
0x51: {  	[sflag:s17] =	ssyncset.done $0x0  }
0x52: {  	[sflag:s17] =	ssyncadd.s32 $0xFFFFEE00  }
0x53: {  	_ =	swait.ge [sflag:s17], $0x2000  }
0x54: {  	[sflag:s17] =	ssyncset.done $0x0  }
0x55: {  	[sflag:s17] =	ssyncadd.s32 $0xFFFFE000  }
0x56: {  	_ =	swait.ge [sflag:s17], $0x1200  }
0x57: {  	[sflag:s17] =	ssyncset.done $0x0  }
0x58: {  	s22 =	simm.s32 $0x0;
	[sflag:s17] =	ssyncadd.s32 $0xFFFFEE00  }
0x59: {  	v1 =	vld [tilespmem:s22+$0x4B50]  }
0x5a: {  	v4 =	vld [tilespmem:s22+$0xAF40]  }
0x5b: {  	v16 =	vld [tilespmem:s22+$0x7D40]  }
0x5c: {  	v6 =	vld [tilespmem:s22+$0x4B40]  }
0x5d: {  	v11 =	vld [tilespmem:s22+$0x1930]  }
0x5e: {  	v3 =	vld [tilespmem:s22+$0x1920]  }
0x5f: {  	v5 =	vld [tilespmem:s22+$0x1910]  }
0x60: {  	v14 =	vld [tilespmem:s22+$0x1900]  }
0x61: {  	v23 =	vld [tilespmem:s22+$0x4B20]  }
0x62: {  	v20 =	vld [tilespmem:s22+$0xE120]  }
0x63: {  	v10 =	vld [tilespmem:s22+$0xAF20]  }
0x64: {  	v9 =	vld [tilespmem:s22+$0x7D30]  }
0x65: {  	v18 =	vld [tilespmem:s22+$0xE130];
	v2 =	vunpack.i.l.bf16.f32 v11;
	v12 =	vunpack.i.u.bf16.f32 v3;
	v19 =	vunpack.i.l.bf16.f32 v3  }
0x66: {  	v26 =	vld [tilespmem:s22+$0xAF30];
	v17 =	vunpack.i.l.bf16.f32 v5;
	v15 =	vmul.f32 v6, v12;
	v3 =	vmul.f32 v16, v19  }
0x67: {  	v25 =	vld [tilespmem:s22+$0xE140];
	v27 =	vunpack.i.u.bf16.f32 v14;
	v8 =	vmul.f32 v1, v2;
	v7 =	vmul.f32 v4, v12  }
0x68: {  	v35 =	vld [tilespmem:s22+$0x4B30];
	v13 =	vunpack.i.u.bf16.f32 v5;
	v5 =	vmul.f32 v4, v19;
	v4 =	vmul.f32 v10, v27  }
0x69: {  	v29 =	vld [tilespmem:s22+$0x7D20];
	v24 =	vunpack.i.l.bf16.f32 v14;
	v21 =	vmul.f32 v9, v17;
	v28 =	vmul.f32 v20, v27  }
0x6a: {  	v22 =	vimm.f32 $0.0e+00;
	v30 =	vmul.f32 v23, v24;
	v31 =	vmul.f32 v18, v13  }
0x6b: {  	v33 =	vimm.f32 $0.0e+00;
	v14 =	vmul.f32 v26, v17;
	v36 =	vmul.f32 v26, v13  }
0x6c: {  	v16 =	vmul.f32 v16, v12;
	v26 =	vadd.f32 v28, v22;
	v28 =	vmul.f32 v23, v27  }
0x6d: {  	v34 =	vmul.f32 v35, v17;
	v37 =	vadd.f32 v4, v22;
	v32 =	vadd.f32 v30, v22  }
0x6e: {  	v30 =	vmul.f32 v29, v27;
	v23 =	vmul.f32 v25, v19;
	v4 =	vld [tilespmem:s22+$0xE150];
	v38 =	vadd.f32 v28, v22  }
0x6f: {  	s5 =	simm.s32 $0x100;
	v27 =	vld [tilespmem:s22+$0x7D50];
	v31 =	vadd.f32 v31, v26;
	v28 =	vimm.f32 $0.0e+00;
	v26 =	vimm.f32 $0.0e+00  }
.LBB2_3:
0x70: {  	p0 =	sne.s32 s5, $0xC700;
	v39 =	vunpack.i.u.bf16.f32 v11;
	v11 =	vmul.f32 v35, v13;
	v35 =	vld [tilespmem:s22+$0xAF50];
	s22 =	sshra.s32 s5, $0x2;
	s5 =	sadd.s32 $0x100, s5;
	v20 =	vmul.f32 v20, v24  }
0x71: {  	v36 =	vadd.f32 v36, v37;
	v12 =	vmul.f32 v25, v12;
	v40 =	vmul.f32 v1, v39;
	v1 =	vld [tilespmem:s22+$0x4B50]  }
0x72: {  	v19 =	vmul.f32 v6, v19;
	v29 =	vmul.f32 v29, v24;
	v25 =	vld [tilespmem:s22+$0xE150];
	v11 =	vadd.f32 v11, v38  }
0x73: {  	v20 =	vadd.f32 v20, v22;
	v12 =	vadd.f32 v12, v31;
	v22 =	vmul.f32 v4, v39;
	v37 =	vld [tilespmem:s22+$0xAF40]  }
0x74: {  	v31 =	vld [tilespmem:s22+$0x7D40];
	v38 =	vadd.f32 v15, v11;
	v41 =	vmul.f32 v27, v2;
	v15 =	vmul.f32 v18, v17  }
0x75: {  	v10 =	vmul.f32 v10, v24;
	v17 =	vadd.f32 v29, v33;
	v42 =	vadd.f32 v22, v12;
	v6 =	vld [tilespmem:s22+$0x4B40]  }
0x76: {  	v12 =	vadd.f32 v34, v32;
	v32 =	vmul.f32 v35, v2;
	v11 =	vld [tilespmem:s22+$0x1930];
	v15 =	vadd.f32 v15, v20  }
0x77: {  	v9 =	vmul.f32 v9, v13;
	v10 =	vadd.f32 v10, v26;
	v20 =	vadd.f32 v30, v28;
	v18 =	vld [tilespmem:s22+$0x1920]  }
0x78: {  	v2 =	vmul.f32 v4, v2;
	v21 =	vadd.f32 v21, v17;
	v4 =	vmovc v25;
	v13 =	vld [tilespmem:s22+$0x1910];
	v15 =	vadd.f32 v23, v15  }
0x79: {  	v27 =	vmul.f32 v27, v39;
	v12 =	vadd.f32 v19, v12;
	v9 =	vadd.f32 v9, v20;
	v23 =	vld [tilespmem:s22+$0x1900]  }
0x7a: {  	v7 =	vadd.f32 v7, v36;
	v17 =	vmul.f32 v35, v39;
	v30 =	vld [tilespmem:s22+$0x4B20];
	v22 =	vadd.f32 v2, v15  }
0x7b: {  	v34 =	vadd.f32 v8, v12;
	v8 =	vadd.f32 v14, v10;
	v2 =	vunpack.i.l.bf16.f32 v11;
	v20 =	vld [tilespmem:s22+$0xE120]  }
0x7c: {  	v39 =	vadd.f32 v17, v7;
	v14 =	vadd.f32 v16, v9;
	v12 =	vunpack.i.u.bf16.f32 v18;
	v10 =	vld [tilespmem:s22+$0xAF20]  }
0x7d: {  	v16 =	vadd.f32 v5, v8;
	v19 =	vunpack.i.l.bf16.f32 v18;
	v15 =	vmul.f32 v6, v12;
	v9 =	vld [tilespmem:s22+$0x7D30]  }
0x7e: {  	v38 =	vadd.f32 v40, v38;
	v17 =	vunpack.i.l.bf16.f32 v13;
	v24 =	vmul.f32 v31, v19;
	v18 =	vld [tilespmem:s22+$0xE130]  }
0x7f: {  	v8 =	vmul.f32 v1, v2;
	v13 =	vunpack.i.u.bf16.f32 v13;
	v7 =	vmul.f32 v37, v12;
	v36 =	vld [tilespmem:s22+$0xAF30]  }
0x80: {  	v33 =	vadd.f32 v3, v21;
	v5 =	vmul.f32 v37, v19;
	v40 =	vunpack.i.u.bf16.f32 v23;
	v3 =	vmovc v24;
	v25 =	vld [tilespmem:s22+$0xE140]  }
0x81: {  	v26 =	vadd.f32 v32, v16;
	v24 =	vunpack.i.l.bf16.f32 v23;
	v29 =	vld [tilespmem:s22+$0x7D20];
	v23 =	vmul.f32 v10, v40  }
0x82: {  	v28 =	vadd.f32 v27, v14;
	v16 =	vmul.f32 v20, v40;
	v35 =	vld [tilespmem:s22+$0x4B30];
	v21 =	vmul.f32 v9, v17  }
.Ltmp0:
0x83: {  	v33 =	vadd.f32 v41, v33;
	v27 =	vmul.f32 v30, v24;
	v43 =	vmul.f32 v18, v13;
	(pc) =	sbr.rel @p0 .LBB2_3-.Ltmp0, $4  }
0x84: {  	v41 =	vadd.f32 v16, v42;
	v14 =	vmul.f32 v36, v17;
	v36 =	vmul.f32 v36, v13  }
0x85: {  	v42 =	vmul.f32 v30, v40;
	v16 =	vmul.f32 v31, v12;
	v37 =	vadd.f32 v23, v39  }
0x86: {  	v32 =	vadd.f32 v27, v34;
	v23 =	vmul.f32 v25, v19;
	v30 =	vmul.f32 v29, v40  }
0x87: {  	v38 =	vadd.f32 v42, v38;
	v31 =	vadd.f32 v43, v41;
	v34 =	vmul.f32 v35, v17;
	v27 =	vld [tilespmem:s22+$0x7D50]  }
0x88: {  	v35 =	vmul.f32 v35, v13  }
0x89: {  	v20 =	vmul.f32 v20, v24;
	v36 =	vadd.f32 v36, v37;
	v29 =	vmul.f32 v29, v24  }
0x8a: {  	v17 =	vmul.f32 v18, v17;
	v6 =	vmul.f32 v6, v19;
	v18 =	vadd.f32 v34, v32  }
0x8b: {  	v10 =	vmul.f32 v10, v24;
	v35 =	vadd.f32 v35, v38;
	v20 =	vadd.f32 v20, v22  }
0x8c: {  	v19 =	vadd.f32 v29, v33;
	v22 =	vadd.f32 v30, v28  }
0x8d: {  	v9 =	vmul.f32 v9, v13;
	v10 =	vadd.f32 v10, v26;
	v6 =	vadd.f32 v6, v18  }
0x8e: {  	v15 =	vadd.f32 v15, v35;
	v17 =	vadd.f32 v17, v20;
	v20 =	vld [tilespmem:s22+$0xAF50]  }
0x8f: {  	v11 =	vunpack.i.u.bf16.f32 v11;
	v13 =	vadd.f32 v21, v19;
	v9 =	vadd.f32 v9, v22  }
0x90: {  	v1 =	vmul.f32 v1, v11;
	v10 =	vadd.f32 v14, v10;
	v6 =	vadd.f32 v8, v6  }
0x91: {  	v8 =	vmul.f32 v27, v2;
	v3 =	vadd.f32 v3, v13;
	v9 =	vadd.f32 v16, v9  }
0x92: {  	v13 =	vmul.f32 v27, v11;
	v1 =	vadd.f32 v1, v15;
	v5 =	vadd.f32 v5, v10  }
0x93: {  	(xrf2) =	vadd.scan.msk.f32 $0xffff, v6;
	v6 =	vadd.f32 v7, v36;
	v3 =	vadd.f32 v8, v3;
	v14 =	vmul.f32 v20, v2  }
0x94: {  	v12 =	vmul.f32 v25, v12;
	v8 =	vadd.f32 v13, v9;
	(xrf2) =	vadd.scan.msk.f32 $0xffff, v1;
	v1 =	vadd.f32 v23, v17  }
0x95: {  	v7 =	vmul.f32 v20, v11;
	v2 =	vmul.f32 v4, v2;
	(xrf2) =	vadd.scan.msk.f32 $0xffff, v3;
	v5 =	vadd.f32 v14, v5  }
0x96: {  	v4 =	vmul.f32 v4, v11;
	v3 =	vadd.f32 v12, v31;
	(xrf2) =	vadd.scan.msk.f32 $0xffff, v8  }
0x97: {  	v6 =	vadd.f32 v7, v6;
	v1 =	vadd.f32 v2, v1;
	v2 =	vmov s21;
	(xrf2) =	vadd.scan.msk.f32 $0xffff, v5  }
0x98: {  	v2 =	vshrl.u32 v2, $0x3  }
0x99: {  	v3 =	vadd.f32 v4, v3;
	v2 =	vshll.u32 v2, v0;
	(xrf2) =	vadd.scan.msk.f32 $0xffff, v6  }
0x9a: {  	(xrf2) =	vadd.scan.msk.f32 $0xffff, v1;
	v1 =	vbroadcast v2, $0x0  }
0x9b: {  	(xrf2) =	vadd.scan.msk.f32 $0xffff, v3;
	v3 =	vadd.s32 $0x1, v2  }
0x9c: {  	v3 =	vbroadcast v3, $0x0  }
0x9d: {  	v4, _, _ =	vpop (xrf2)  }
0x9e: {  	v6, _, _ =	vpop (xrf2);
	v4 =	vbroadcast v4, $0xF  }
0x9f: {  	v5 =	vadd.s32 $0x2, v2;
	v6 =	vbroadcast v6, $0xF;
	v7, _, _ =	vpop (xrf2)  }
0xa0: {  	v5 =	vbroadcast v5, $0x0;
	v8, _, _ =	vpop (xrf2);
	[tilespmem:v1+s18+$0x0] =	vst.idx.msk $0x1, v4;
	v4 =	vbroadcast v7, $0xF  }
0xa1: {  	v2 =	vadd.s32 $0x3, v2;
	[tilespmem:v1+s19+$0x0] =	vst.idx.msk $0x1, v6;
	v7, _, _ =	vpop (xrf2)  }
0xa2: {  	v2 =	vbroadcast v2, $0x0;
	[tilespmem:v3+s18+$0x0] =	vst.idx.msk $0x1, v4;
	v4 =	vbroadcast v7, $0xF  }
0xa3: {  	v1 =	vbroadcast v8, $0xF  }
0xa4: {  	v6, _, _ =	vpop (xrf2)  }
0xa5: {  	p0 =	seq.s32 s24, $0x3;
	[tilespmem:v3+s19+$0x0] =	vst.idx.msk $0x1, v1;
	v7, _, _ =	vpop (xrf2);
	v1 =	vbroadcast v6, $0xF  }
0xa6: {  	s5 =	smul.u32 @!p0 $0x1900, s24;
	[tilespmem:v5+s18+$0x0] =	vst.idx.msk $0x1, v4;
	v3 =	vbroadcast v7, $0xF;
	v4, _, _ =	vpop (xrf2)  }
0xa7: {  	[tilespmem:v5+s19+$0x0] =	vst.idx.msk $0x1, v1;
	v1 =	vbroadcast v4, $0xF  }
0xa8: {  	s5 =	sshra.s32 @!p0 s5, $0x2;
	[tilespmem:v2+s18+$0x0] =	vst.idx.msk $0x1, v3  }
0xa9: {  	s6 =	simm.s32 @!p0 $0x4B20;
	s22 =	simm.s32 @!p0 $0x80;
	s21 =	sadd.s32 @!p0 $0x640, s5;
	[tilespmem:v2+s19+$0x0] =	vst.idx.msk $0x1, v1  }
0xaa: {  	[tilespmem:s6], [sflag:$0x1] =	stream.indirect.gather @!p0 [hbm4b:s4+s22], $0x40, s21, s22, $0xb8;
	[tilespmem:$0x1DBA0] =	vst v63  }
0xab: {  	s7 =	simm.s32 @!p0 $0x6B20;
	s6 =	sadd.s32 @!p0 $0x6C0, s5;
	s21 =	simm.s32 @!p0 $0x48  }
0xac: {  	[tilespmem:s7], [sflag:$0x1] =	stream.indirect.gather @!p0 [hbm4b:s4+s21], $0x40, s6, s21, $0xb8;
	[tilespmem:$0x1DBA0] =	vst v63  }
0xad: {  	s6 =	sadd.s32 @!p0 $0x708, s5;
	s7 =	simm.s32 @!p0 $0x7D20  }
0xae: {  	[tilespmem:s7], [sflag:$0x1] =	stream.indirect.gather @!p0 [hbm4b:s4+s22], $0x40, s6, s22, $0xb8;
	[tilespmem:$0x1DBA0] =	vst v63  }
0xaf: {  	s6 =	sadd.s32 @!p0 $0x788, s5;
	s7 =	simm.s32 @!p0 $0x9D20  }
0xb0: {  	[tilespmem:s7], [sflag:$0x1] =	stream.indirect.gather @!p0 [hbm4b:s4+s21], $0x40, s6, s21, $0xb8;
	[tilespmem:$0x1DBA0] =	vst v63  }
0xb1: {  	s6 =	sadd.s32 @!p0 $0x7D0, s5;
	s7 =	simm.s32 @!p0 $0xAF20  }
0xb2: {  	[tilespmem:s7], [sflag:$0x1] =	stream.indirect.gather @!p0 [hbm4b:s4+s22], $0x40, s6, s22, $0xb8;
	[tilespmem:$0x1DBA0] =	vst v63  }
0xb3: {  	s6 =	sadd.s32 @!p0 $0x850, s5;
	s7 =	simm.s32 @!p0 $0xCF20  }
0xb4: {  	[tilespmem:s7], [sflag:$0x1] =	stream.indirect.gather @!p0 [hbm4b:s4+s21], $0x40, s6, s21, $0xb8;
	[tilespmem:$0x1DBA0] =	vst v63  }
0xb5: {  	s6 =	sadd.s32 @!p0 $0x898, s5;
	s7 =	simm.s32 @!p0 $0xE120  }
0xb6: {  	[tilespmem:s7], [sflag:$0x1] =	stream.indirect.gather @!p0 [hbm4b:s4+s22], $0x40, s6, s22, $0xb8;
	[tilespmem:$0x1DBA0] =	vst v63  }
0xb7: {  	s5 =	sadd.s32 @!p0 $0x918, s5;
	s6 =	simm.s32 @!p0 $0x10120  }
0xb8: {  	[tilespmem:s6], [sflag:$0x1] =	stream.indirect.gather @!p0 [hbm4b:s4+s21], $0x40, s5, s21, $0xb8;
	[tilespmem:$0x1DBA0] =	vst v63  }
0xb9: {  	_ =	swait.ge [sflag:s20], $0x2000  }
0xba: {  	[sflag:s20] =	ssyncset.done $0x0  }
0xbb: {  	[sflag:s20] =	ssyncadd.s32 $0xFFFFE000  }
0xbc: {  	_ =	swait.ge [sflag:s20], $0x1200  }
0xbd: {  	[sflag:s20] =	ssyncset.done $0x0  }
0xbe: {  	[sflag:s20] =	ssyncadd.s32 $0xFFFFEE00  }
0xbf: {  	_ =	swait.ge [sflag:s20], $0x2000  }
0xc0: {  	[sflag:s20] =	ssyncset.done $0x0  }
0xc1: {  	[sflag:s20] =	ssyncadd.s32 $0xFFFFE000  }
0xc2: {  	_ =	swait.ge [sflag:s20], $0x1200  }
0xc3: {  	[sflag:s20] =	ssyncset.done $0x0  }
0xc4: {  	[sflag:s20] =	ssyncadd.s32 $0xFFFFEE00  }
0xc5: {  	_ =	swait.ge [sflag:s20], $0x2000  }
0xc6: {  	[sflag:s20] =	ssyncset.done $0x0  }
0xc7: {  	[sflag:s20] =	ssyncadd.s32 $0xFFFFE000  }
0xc8: {  	_ =	swait.ge [sflag:s20], $0x1200  }
0xc9: {  	[sflag:s20] =	ssyncset.done $0x0  }
0xca: {  	[sflag:s20] =	ssyncadd.s32 $0xFFFFEE00  }
0xcb: {  	_ =	swait.ge [sflag:s20], $0x2000  }
0xcc: {  	[sflag:s20] =	ssyncset.done $0x0  }
0xcd: {  	[sflag:s20] =	ssyncadd.s32 $0xFFFFE000  }
0xce: {  	_ =	swait.ge [sflag:s20], $0x1200  }
0xcf: {  	[sflag:s20] =	ssyncset.done $0x0  }
0xd0: {  	s21 =	simm.s32 $0x0;
	[sflag:s20] =	ssyncadd.s32 $0xFFFFEE00  }
0xd1: {  	v1 =	vld [tilespmem:s21+$0x11350]  }
0xd2: {  	v4 =	vld [tilespmem:s21+$0x17740]  }
0xd3: {  	v15 =	vld [tilespmem:s21+$0x14540]  }
0xd4: {  	v6 =	vld [tilespmem:s21+$0x11340]  }
0xd5: {  	v9 =	vld [tilespmem:s21+$0x1930]  }
0xd6: {  	v3 =	vld [tilespmem:s21+$0x1920]  }
0xd7: {  	v5 =	vld [tilespmem:s21+$0x1910]  }
0xd8: {  	v13 =	vld [tilespmem:s21+$0x1900]  }
0xd9: {  	v23 =	vld [tilespmem:s21+$0x11320]  }
0xda: {  	v20 =	vld [tilespmem:s21+$0x1A920]  }
0xdb: {  	v11 =	vld [tilespmem:s21+$0x17720]  }
0xdc: {  	v10 =	vld [tilespmem:s21+$0x14530]  }
0xdd: {  	v17 =	vld [tilespmem:s21+$0x1A930];
	v2 =	vunpack.i.l.bf16.f32 v9;
	v21 =	vunpack.i.u.bf16.f32 v3;
	v18 =	vunpack.i.l.bf16.f32 v3  }
0xde: {  	v25 =	vld [tilespmem:s21+$0x17730];
	v16 =	vunpack.i.l.bf16.f32 v5;
	v14 =	vmul.f32 v6, v21;
	v3 =	vmul.f32 v15, v18  }
0xdf: {  	v28 =	vld [tilespmem:s21+$0x1A940];
	v26 =	vunpack.i.u.bf16.f32 v13;
	v8 =	vmul.f32 v1, v2;
	v7 =	vmul.f32 v4, v21  }
0xe0: {  	v34 =	vld [tilespmem:s21+$0x11330];
	v12 =	vunpack.i.u.bf16.f32 v5;
	v5 =	vmul.f32 v4, v18;
	v4 =	vmul.f32 v11, v26  }
0xe1: {  	v29 =	vld [tilespmem:s21+$0x14520];
	v24 =	vunpack.i.l.bf16.f32 v13;
	v19 =	vmul.f32 v10, v16;
	v27 =	vmul.f32 v20, v26  }
0xe2: {  	v32 =	vimm.f32 $0.0e+00;
	v30 =	vmul.f32 v23, v24;
	v63 =	vmul.f32 v17, v12  }
0xe3: {  	v22 =	vimm.f32 $0.0e+00;
	v13 =	vmul.f32 v25, v16;
	v35 =	vmul.f32 v25, v12  }
0xe4: {  	v15 =	vmul.f32 v15, v21;
	v25 =	vadd.f32 v27, v22;
	v27 =	vmul.f32 v23, v26  }
0xe5: {  	v33 =	vmul.f32 v34, v16;
	v36 =	vadd.f32 v4, v22;
	v31 =	vadd.f32 v30, v22  }
0xe6: {  	v30 =	vmul.f32 v29, v26;
	v23 =	vmul.f32 v28, v18;
	v4 =	vld [tilespmem:s21+$0x1A950];
	v38 =	vadd.f32 v27, v22  }
0xe7: {  	s5 =	simm.s32 $0x100;
	v26 =	vld [tilespmem:s21+$0x14550];
	v37 =	vadd.f32 v63, v25;
	v27 =	vimm.f32 $0.0e+00;
	v25 =	vimm.f32 $0.0e+00  }
.LBB2_5:
0xe8: {  	p0 =	sne.s32 s5, $0xC700;
	v39 =	vunpack.i.u.bf16.f32 v9;
	v9 =	vmul.f32 v34, v12;
	v34 =	vld [tilespmem:s21+$0x17750];
	s21 =	sshra.s32 s5, $0x2;
	s5 =	sadd.s32 $0x100, s5;
	v20 =	vmul.f32 v20, v24  }
0xe9: {  	v35 =	vadd.f32 v35, v36;
	v21 =	vmul.f32 v28, v21;
	v40 =	vmul.f32 v1, v39;
	v1 =	vld [tilespmem:s21+$0x11350]  }
0xea: {  	v18 =	vmul.f32 v6, v18;
	v29 =	vmul.f32 v29, v24;
	v28 =	vld [tilespmem:s21+$0x1A950];
	v9 =	vadd.f32 v9, v38  }
0xeb: {  	v20 =	vadd.f32 v20, v22;
	v21 =	vadd.f32 v21, v37;
	v22 =	vmul.f32 v4, v39;
	v36 =	vld [tilespmem:s21+$0x17740]  }
0xec: {  	v37 =	vld [tilespmem:s21+$0x14540];
	v38 =	vadd.f32 v14, v9;
	v41 =	vmul.f32 v26, v2;
	v14 =	vmul.f32 v17, v16  }
0xed: {  	v11 =	vmul.f32 v11, v24;
	v16 =	vadd.f32 v29, v32;
	v42 =	vadd.f32 v22, v21;
	v6 =	vld [tilespmem:s21+$0x11340]  }
0xee: {  	v17 =	vadd.f32 v33, v31;
	v31 =	vmul.f32 v34, v2;
	v9 =	vld [tilespmem:s21+$0x1930];
	v14 =	vadd.f32 v14, v20  }
0xef: {  	v10 =	vmul.f32 v10, v12;
	v11 =	vadd.f32 v11, v25;
	v20 =	vadd.f32 v30, v27;
	v24 =	vld [tilespmem:s21+$0x1920]  }
0xf0: {  	v2 =	vmul.f32 v4, v2;
	v19 =	vadd.f32 v19, v16;
	v4 =	vmovc v28;
	v12 =	vld [tilespmem:s21+$0x1910];
	v14 =	vadd.f32 v23, v14  }
0xf1: {  	v26 =	vmul.f32 v26, v39;
	v16 =	vadd.f32 v18, v17;
	v10 =	vadd.f32 v10, v20;
	v23 =	vld [tilespmem:s21+$0x1900]  }
0xf2: {  	v7 =	vadd.f32 v7, v35;
	v17 =	vmul.f32 v34, v39;
	v30 =	vld [tilespmem:s21+$0x11320];
	v22 =	vadd.f32 v2, v14  }
0xf3: {  	v33 =	vadd.f32 v8, v16;
	v8 =	vadd.f32 v13, v11;
	v2 =	vunpack.i.l.bf16.f32 v9;
	v20 =	vld [tilespmem:s21+$0x1A920]  }
0xf4: {  	v39 =	vadd.f32 v17, v7;
	v13 =	vadd.f32 v15, v10;
	v21 =	vunpack.i.u.bf16.f32 v24;
	v11 =	vld [tilespmem:s21+$0x17720]  }
0xf5: {  	v15 =	vadd.f32 v5, v8;
	v18 =	vunpack.i.l.bf16.f32 v24;
	v14 =	vmul.f32 v6, v21;
	v10 =	vld [tilespmem:s21+$0x14530]  }
0xf6: {  	v38 =	vadd.f32 v40, v38;
	v16 =	vunpack.i.l.bf16.f32 v12;
	v24 =	vmul.f32 v37, v18;
	v17 =	vld [tilespmem:s21+$0x1A930]  }
0xf7: {  	v8 =	vmul.f32 v1, v2;
	v12 =	vunpack.i.u.bf16.f32 v12;
	v7 =	vmul.f32 v36, v21;
	v35 =	vld [tilespmem:s21+$0x17730]  }
0xf8: {  	v32 =	vadd.f32 v3, v19;
	v5 =	vmul.f32 v36, v18;
	v40 =	vunpack.i.u.bf16.f32 v23;
	v3 =	vmovc v24;
	v28 =	vld [tilespmem:s21+$0x1A940]  }
0xf9: {  	v25 =	vadd.f32 v31, v15;
	v24 =	vunpack.i.l.bf16.f32 v23;
	v29 =	vld [tilespmem:s21+$0x14520];
	v23 =	vmul.f32 v11, v40  }
0xfa: {  	v27 =	vadd.f32 v26, v13;
	v15 =	vmul.f32 v20, v40;
	v34 =	vld [tilespmem:s21+$0x11330];
	v19 =	vmul.f32 v10, v16  }
.Ltmp1:
0xfb: {  	v32 =	vadd.f32 v41, v32;
	v26 =	vmul.f32 v30, v24;
	v43 =	vmul.f32 v17, v12;
	(pc) =	sbr.rel @p0 .LBB2_5-.Ltmp1, $4  }
0xfc: {  	v41 =	vadd.f32 v15, v42;
	v13 =	vmul.f32 v35, v16;
	v35 =	vmul.f32 v35, v12  }
0xfd: {  	v42 =	vmul.f32 v30, v40;
	v15 =	vmul.f32 v37, v21;
	v36 =	vadd.f32 v23, v39  }
0xfe: {  	v31 =	vadd.f32 v26, v33;
	v23 =	vmul.f32 v28, v18;
	v30 =	vmul.f32 v29, v40  }
0xff: {  	v38 =	vadd.f32 v42, v38;
	v37 =	vadd.f32 v43, v41;
	v33 =	vmul.f32 v34, v16;
	v26 =	vld [tilespmem:s21+$0x14550]  }
0x100: {  	v34 =	vmul.f32 v34, v12  }
0x101: {  	v20 =	vmul.f32 v20, v24;
	v21 =	vmul.f32 v28, v21  }
0x102: {  	v36 =	vadd.f32 v35, v36;
	v29 =	vmul.f32 v29, v24;
	v16 =	vmul.f32 v17, v16  }
0x103: {  	v11 =	vmul.f32 v11, v24;
	v41 =	vadd.f32 v30, v27;
	v34 =	vadd.f32 v34, v38  }
0x104: {  	v10 =	vmul.f32 v10, v12;
	v20 =	vadd.f32 v20, v22;
	v38 =	vadd.f32 v33, v31  }
0x105: {  	v6 =	vmul.f32 v6, v18;
	v39 =	vadd.f32 v29, v32;
	v11 =	vadd.f32 v11, v25  }
0x106: {  	v40 =	vld [tilespmem:s21+$0x17750];
	v9 =	vunpack.i.u.bf16.f32 v9;
	v10 =	vadd.f32 v10, v41;
	v14 =	vadd.f32 v14, v34  }
0x107: {  	v50 =	vmov s29;
	v6 =	vadd.f32 v6, v38;
	v42 =	vadd.f32 v19, v39  }
0x108: {  	v1 =	vmul.f32 v1, v9;
	v16 =	vadd.f32 v16, v20;
	v11 =	vadd.f32 v13, v11  }
0x109: {  	v43 =	vmul.f32 v26, v2;
	v6 =	vadd.f32 v8, v6;
	v3 =	vadd.f32 v3, v42  }
0x10a: {  	v44 =	vmul.f32 v26, v9;
	v10 =	vadd.f32 v15, v10;
	v1 =	vadd.f32 v1, v14  }
0x10b: {  	v45 =	vmul.f32 v40, v2;
	v5 =	vadd.f32 v5, v11;
	v3 =	vadd.f32 v43, v3;
	(xrf2) =	vadd.scan.msk.f32 $0xffff, v6  }
0x10c: {  	v46 =	vadd.f32 v7, v36;
	v47 =	vmul.f32 v40, v9;
	v48 =	vadd.f32 v44, v10;
	(xrf2) =	vadd.scan.msk.f32 $0xffff, v1  }
0x10d: {  	v2 =	vmul.f32 v4, v2;
	v5 =	vadd.f32 v45, v5;
	v1 =	vadd.f32 v23, v16;
	(xrf2) =	vadd.scan.msk.f32 $0xffff, v3  }
0x10e: {  	v21 =	vadd.f32 v21, v37;
	v49 =	vadd.f32 v47, v46;
	v3 =	vmul.f32 v4, v9;
	(xrf2) =	vadd.scan.msk.f32 $0xffff, v48  }
0x10f: {  	v1 =	vadd.f32 v2, v1;
	v2 =	vshrl.u32 v50, $0x3;
	(xrf2) =	vadd.scan.msk.f32 $0xffff, v5  }
0x110: {  	v51 =	vmov s28;
	v3 =	vadd.f32 v3, v21;
	v2 =	vshll.u32 v2, v0;
	(xrf2) =	vadd.scan.msk.f32 $0xffff, v49  }
0x111: {  	v52 =	vshrl.u32 v51, $0x3;
	v2 =	vadd.s32 $0x4, v2;
	(xrf2) =	vadd.scan.msk.f32 $0xffff, v1  }
0x112: {  	v53 =	vmov s25;
	v1 =	vbroadcast v2, $0x0;
	v2 =	vshll.u32 v52, v0;
	(xrf2) =	vadd.scan.msk.f32 $0xffff, v3  }
0x113: {  	v2 =	vadd.s32 $0x5, v2;
	v3 =	vshrl.u32 v53, $0x3  }
0x114: {  	v54 =	vmov s26;
	v2 =	vbroadcast v2, $0x0;
	v3 =	vshll.u32 v3, v0  }
0x115: {  	v4 =	vshrl.u32 v54, $0x3;
	v3 =	vadd.s32 $0x6, v3;
	v55, _, _ =	vpop (xrf2)  }
0x116: {  	v4 =	vshll.u32 v4, v0;
	v3 =	vbroadcast v3, $0x0;
	v56, _, _ =	vpop (xrf2);
	v5 =	vbroadcast v55, $0xF  }
0x117: {  	v4 =	vadd.s32 $0x7, v4;
	v57, _, _ =	vpop (xrf2);
	v6 =	vbroadcast v56, $0xF  }
0x118: {  	v4 =	vbroadcast v4, $0x0;
	v8, _, _ =	vpop (xrf2);
	[tilespmem:v1+s18+$0x0] =	vst.idx.msk $0x1, v5;
	v58 =	vbroadcast v57, $0xF  }
0x119: {  	s24 =	sadd.s32 $0x1, s24;
	v59, _, _ =	vpop (xrf2);
	[tilespmem:v1+s19+$0x0] =	vst.idx.msk $0x1, v6;
	v1 =	vbroadcast v8, $0xF  }
0x11a: {  	p0 =	sne.s32 s24, $0x4;
	v60, _, _ =	vpop (xrf2);
	[tilespmem:v2+s18+$0x0] =	vst.idx.msk $0x1, v58;
	v61 =	vbroadcast v59, $0xF  }
.Ltmp2:
0x11b: {  	v62, _, _ =	vpop (xrf2);
	[tilespmem:v2+s19+$0x0] =	vst.idx.msk $0x1, v1;
	v1 =	vbroadcast v60, $0xF;
	(pc) =	sbr.rel @p0 .LBB2_2-.Ltmp2, $4  }
0x11c: {  	[tilespmem:v3+s18+$0x0] =	vst.idx.msk $0x1, v61;
	v2 =	vbroadcast v62, $0xF;
	v63, _, _ =	vpop (xrf2)  }
0x11d: {  	[tilespmem:v3+s19+$0x0] =	vst.idx.msk $0x1, v1;
	v1 =	vbroadcast v63, $0xF  }
0x11e: {  	[tilespmem:v4+s18+$0x0] =	vst.idx.msk $0x1, v2  }
0x11f: {  	[tilespmem:v4+s19+$0x0] =	vst.idx.msk $0x1, v1  }
0x120: {  	v1 =	vld [tilespmem:$0x1DB20]  }
0x121: {  	v2 =	vld [tilespmem:$0x4B00]  }
0x122: {  	v3 =	vld [tilespmem:$0x1DB40]  }
0x123: {  	v4 =	vld [tilespmem:$0x4B10];
	_ =	sdelay $0x4  }
0x124: {  	v1 =	vadd.f32 v2, v1;
	v2 =	vadd.f32 v4, v3;
	_ =	sdelay $0x1  }
0x125: {  	v3 =	vsub.f32 v1, v2;
	_ =	sdelay $0x1  }
0x126: {  	v3 =	vand.u32 $0x7FFFFFFF, v3  }
0x127: {  	v51 =	vld [tilespmem:$0x1DB30];
	v3 =	vsub.f32 $0.0e+00, v3  }
0x128: {  	v5 =	vld [tilespmem:$0x4B00]  }
0x129: {  	v6 =	vld [tilespmem:$0x1DB50];
	v3 =	vmul.f32 $1.442695020e+00, v3  }
0x12a: {  	v7 =	vld [tilespmem:$0x4B10]  }
0x12b: {  	(erf) = vpow2.f32 v3;
	_ =	sdelay $0x3  }
0x12c: {  	v52 =	vadd.f32 v7, v6;
	v3 =	vadd.f32 v5, v51;
	_ =	sdelay $0x1  }
0x12d: {  	v5 =	vsub.f32 v3, v52;
	_ =	sdelay $0x1  }
0x12e: {  	v5 =	vand.u32 $0x7FFFFFFF, v5  }
0x12f: {  	v5 =	vsub.f32 $0.0e+00, v5;
	v53 =	vpop (erf)  }
0x130: {  	v54 =	vadd.f32 $2.000000000e+00, v53  }
0x131: {  	v5 =	vmul.f32 $1.442695020e+00, v5  }
0x132: {  	(erf) = vrcp.f32 v54  }
0x133: {  	(erf) = vpow2.f32 v5;
	_ =	sdelay $0x7  }
0x134: {  	v55 =	vpop (erf)  }
0x135: {  	v56 =	vpop (erf)  }
0x136: {  	v8 =	vadd.f32 $2.000000000e+00, v56;
	_ =	sdelay $0x1  }
0x137: {  	(erf) = vrcp.f32 v8;
	_ =	sdelay $0x7  }
0x138: {  	v5 =	vmul.f32 v55, v53  }
0x139: {  	v57 =	vpop (erf)  }
0x13a: {  	v58 =	vmul.f32 v5, v5;
	v6 =	vmul.f32 v57, v56;
	_ =	sdelay $0x1  }
0x13b: {  	v59 =	vmul.f32 $1.428571490e-01, v58;
	v9 =	vmul.f32 v6, v6;
	_ =	sdelay $0x1  }
0x13c: {  	v7 =	vadd.f32 $2.000000030e-01, v59;
	v10 =	vmul.f32 $1.428571490e-01, v9;
	_ =	sdelay $0x1  }
0x13d: {  	v7 =	vmul.f32 v7, v58;
	v10 =	vadd.f32 $2.000000030e-01, v10;
	_ =	sdelay $0x1  }
0x13e: {  	v7 =	vadd.f32 $3.333333430e-01, v7;
	v10 =	vmul.f32 v10, v9;
	_ =	sdelay $0x1  }
0x13f: {  	v7 =	vmul.f32 v7, v58;
	v60 =	vadd.f32 $3.333333430e-01, v10;
	_ =	sdelay $0x1  }
0x140: {  	v5 =	vadd.f32 v5, v5;
	v7 =	vadd.f32 $1.000000000e+00, v7;
	v8 =	vmul.f32 v60, v9;
	_ =	sdelay $0x1  }
0x141: {  	v6 =	vadd.f32 v6, v6;
	v5 =	vmul.f32 v7, v5;
	v61 =	vadd.f32 $1.000000000e+00, v8  }
0x142: {  	v62 =	vmax.f32 v1, v2  }
0x143: {  	v5 =	vadd.f32 v5, v62;
	v6 =	vmul.f32 v61, v6  }
0x144: {  	v63 =	vmax.f32 v3, v52  }
0x145: {  	v1 =	vsub.f32 v1, v5;
	v6 =	vadd.f32 v6, v63  }
0x146: {  	v2 =	vsub.f32 v2, v5  }
0x147: {  	[tilespmem:$0x1DB60] =	vst v1;
	v1 =	vsub.f32 v3, v6  }
0x148: {  	[tilespmem:$0x1DB80] =	vst v2;
	v2 =	vsub.f32 v52, v6  }
0x149: {  	[tilespmem:$0x1DB70] =	vst v1  }
0x14a: {  	s5 =	rddreg [dreg:$0x5];
	s6 =	simm.s32 $0x1DB60;
	[tilespmem:$0x1DB90] =	vst v2  }
0x14b: {  	[hbm4b:s5+s3] =	stream.linear.scatter [tilespmem:s6], [sflag:$0x4], $0x20, $0x38;
	[tilespmem:$0x1DBA0] =	vst v63  }
0x14c: {  	s23 =	sadd.s32 $0x1, s23;
	_ =	swait.ge [sflag:s12], $0x20  }
0x14d: {  	p0 =	sne.s32 s23, s9;
	[sflag:s12] =	ssyncset.done $0x0  }
.Ltmp3:
0x14e: {  	s29 =	simm.s32 $0x1DB80;
	[sflag:s12] =	ssyncadd.s32 $0xFFFFFFE0;
	(pc) =	sbr.rel @p0 .LBB2_1-.Ltmp3, $4  }
0x14f: {  	[hbm4b:s8+s3] =	stream.linear.scatter [tilespmem:s29], [sflag:$0x4], $0x20, $0x38;
	[tilespmem:$0x1DBA0] =	vst v63  }
0x150: {  	_ =	swait.ge [sflag:s12], $0x20  }
0x151: {  	[sflag:s12] =	ssyncset.done $0x0  }
0x152: {  	[sflag:s12] =	ssyncadd.s32 $0xFFFFFFE0  }
0x153: {  	_ =	sfence.sel $0x180000  }
0x154: {  	[bflag:$0x0] =	sbarrier.arrive $0xFFFF  }
0x155: {  	_ =	strace $0x90000047  }
0x156: {  	s0 =	stileid.u32;
	[bflag:$0x2] =	sbarrier.arrive $0xFFFF  }
0x157: {  	p0 =	sne.s32 s0, $0x0;
	s0 =	rddreg [dreg:$0x2]  }
0x158: {  	s0 =	sadd.s32 @!p0 $0x100000, s0  }
0x159: {  	[sflag:s0] =	ssyncadd.tile.s32 @!p0 $0x1;
	_ =	shalt  }
.Lfunc_end2:
_tile_overlayer_lowered:
.L_overlay_start_2:
0x15a: {  	(tag) =	ssettag $0x2  }
0x15b: {  	s0 =	rddreg [dreg:$0x0];
	s2 =	stileid.u32  }
0x15c: {  	s1 =	rddreg [dreg:$0x1];
	p0 =	sne.s32 s2, $0x0  }
0x15d: {  	s3 =	rddreg [dreg:$0x2];
	[bflag:$0x3] =	sbarrier.arrive $0xFFFF;
	s2 =	simm.s32 @!p0 $0x1C04  }
0x15e: {  	[timem:s3], [sflag:s2] =	dma.local @!p0 [hbm:s0], s1  }
0x15f: {  	s0 =	simm.s32 @!p0 $0x4  }
0x160: {  	_ =	swait.ge @!p0 [sflag:s0], s1  }
0x161: {  	s1 =	ssub.s32 @!p0 $0x0, s1;
	[sflag:s0] =	ssyncset.done @!p0 $0x0  }
0x162: {  	[sflag:s0] =	ssyncadd.s32 @!p0 s1  }
0x163: {  	[bflag:$0x3] =	sbarrier.arrive $0xFFFF  }
0x164: {  	_ =	shalt  }

</sc_bundles>
